<compile_context>
chip_gen: v7x
topology: tpu7x:2x2x1
jax: 0.10.2.dev20260603
libtpu: 0.0.44.dev20260713+nightly
codegen_flags: <defaults>
</compile_context>

<pallas_src>
import functools

import jax
import jax.numpy as jnp
from jax import lax
from jax.experimental import pallas as pl
from jax.experimental.pallas import tpu as pltpu
from jax.experimental.pallas import tpu_sc as plsc

_NUM_WORKERS = 32
_CHUNK = 16
_NBUF = 4


def _make_sc_gather(B, V, D):
    b_per_w = B // _NUM_WORKERS
    n_chunks = b_per_w // _CHUNK
    n_groups = n_chunks // _NBUF
    depth = _NBUF - 1
    mesh = plsc.VectorSubcoreMesh(core_axis_name="c", subcore_axis_name="s")

    @functools.partial(
        pl.kernel,
        mesh=mesh,
        out_type=jax.ShapeDtypeStruct((B, D), jnp.float32),
        scratch_types=[
            pltpu.VMEM((b_per_w,), jnp.int32),
        ]
        + [pltpu.VMEM((_CHUNK, D), jnp.float32)] * _NBUF
        + [pltpu.SemaphoreType.DMA] * _NBUF
        + [
            pltpu.VMEM_SHARED((16, 2, _CHUNK, D), jnp.float32),
            pltpu.SemaphoreType.DMA,
            pltpu.SemaphoreType.DMA,
        ],
    )
    def gather_kernel(idx_hbm, table_hbm, out_hbm, idx_v, *rest):
        bufs = rest[:_NBUF]
        sems = rest[_NBUF:2 * _NBUF]
        shared = rest[2 * _NBUF]
        osem = rest[2 * _NBUF + 1:]
        cid = lax.axis_index("c")
        sid = lax.axis_index("s")
        wid = sid * 2 + cid
        base = wid * b_per_w
        pltpu.sync_copy(idx_hbm.at[pl.ds(base, b_per_w)], idx_v)

        def gather(c, j):
            off = pl.multiple_of(c * _CHUNK, 8)
            pltpu.async_copy(
                table_hbm.at[idx_v.at[pl.ds(off, _CHUNK)]], bufs[j], sems[j])

        def put(c, j):
            off = pl.multiple_of(c * _CHUNK, 8)
            s = j % 2
            pl.when(c >= 2)(lambda: drain_o(s))
            pltpu.sync_copy(bufs[j], shared.at[sid, s])
            pltpu.async_copy(
                shared.at[sid, s],
                out_hbm.at[pl.ds(base + off, _CHUNK)], osem[s])

        def drain(j):
            pltpu.make_async_copy(
                table_hbm.at[pl.ds(0, _CHUNK)], bufs[j], sems[j]).wait()

        def drain_o(s):
            pltpu.make_async_copy(
                shared.at[sid, s],
                out_hbm.at[pl.ds(base, _CHUNK)], osem[s]).wait()

        for j in range(depth):
            gather(j, j)

        def body(g, carry):
            c0 = g * _NBUF
            for j in range(_NBUF):
                c = c0 + j
                nxt = c + depth
                pl.when(nxt < n_chunks)(
                    lambda: gather(nxt, (j + depth) % _NBUF))
                drain(j)
                put(c, j)
            return carry

        lax.fori_loop(0, n_groups, body, 0)
        drain_o(0)
        drain_o(1)

    return gather_kernel


def kernel(x, pe):
    x_shape = x.shape
    V, D = pe.shape
    flat = x.reshape(-1)
    B = flat.shape[0]
    out = _make_sc_gather(B, V, D)(flat, pe)
    return out.reshape(x_shape + (D,))

# --- scband reference (transcript-rebuilt; emitter-appended) ---
"""Pipeline reference for scband-positional-embedding-52458730553537 (READ-ONLY COPY).

The authoritative reference and input builder live on the scoring server;
editing this copy changes nothing except your own understanding.
"""

import jax, jax.numpy as jnp
import numpy as np
import math

MAX_LEN = 8192
EMBEDDING_DIM = 1024
BATCH = 4
SEQ = 8192

def _build_pe(max_len, embedding_dim):
    position = np.arange(max_len, dtype=np.float32)[:, None]
    div_term = np.exp(np.arange(0, embedding_dim, 2, dtype=np.float32) * (-math.log(10000.0) / embedding_dim))
    pe = np.zeros((max_len, embedding_dim), dtype=np.float32)
    pe[:, 0::2] = np.sin(position * div_term)
    pe[:, 1::2] = np.cos(position * div_term)
    return jnp.asarray(pe)

def setup_inputs(seed: int = 0) -> dict:
    key = jax.random.key(seed)
    x = jax.random.randint(key, (BATCH, SEQ), 0, MAX_LEN, dtype=jnp.int32)
    pe = _build_pe(MAX_LEN, EMBEDDING_DIM)
    return {"x": x, "pe": pe}

def reference(x, pe):
    x_shape = x.shape
    flat = x.reshape(-1)
    out = jnp.take(pe, flat, axis=0)
    return out.reshape(x_shape + (pe.shape[1],))

if __name__ == "__main__":
    import jax
    _d = setup_inputs()
    print(jax.jit(kernel)(*tuple(_d.values())))

</pallas_src>

<mosaic_0001>
#map = affine_map<(d0, d1) -> (0)>
#map1 = affine_map<(d0, d1) -> (0, 0)>
module attributes {stable_mosaic.version = 14 : i64} {
  func.func @gather_kernel(%arg0: i32, %arg1: i32, %arg2: memref<32768xi32, #tpu.memory_space<hbm>>, %arg3: memref<8192x1024xf32, #tpu.memory_space<hbm>>, %arg4: memref<32768x1024xf32, #tpu.memory_space<hbm>>, %arg5: memref<1024xi32, #tpu.memory_space<vmem>>, %arg6: memref<16x1024xf32, #tpu.memory_space<vmem>>, %arg7: memref<16x1024xf32, #tpu.memory_space<vmem>>, %arg8: memref<16x1024xf32, #tpu.memory_space<vmem>>, %arg9: memref<16x1024xf32, #tpu.memory_space<vmem>>, %arg10: memref<!tpu.dma_semaphore, #tpu.memory_space<semaphore_mem>>, %arg11: memref<!tpu.dma_semaphore, #tpu.memory_space<semaphore_mem>>, %arg12: memref<!tpu.dma_semaphore, #tpu.memory_space<semaphore_mem>>, %arg13: memref<!tpu.dma_semaphore, #tpu.memory_space<semaphore_mem>>, %arg14: memref<16x2x16x1024xf32, #tpu.memory_space<vmem_shared>>, %arg15: memref<!tpu.dma_semaphore, #tpu.memory_space<semaphore_mem>>, %arg16: memref<!tpu.dma_semaphore, #tpu.memory_space<semaphore_mem>>) attributes {dimension_semantics = [#tpu.dimension_semantics<core_parallel>, #tpu.dimension_semantics<subcore_parallel>], iteration_bounds = array<i64: 2, 16>, scalar_prefetch = 0 : i64, scratch_operands = 12 : i64, tpu.core_type = #tpu.core_type<sc_vector_subcore>, window_params = [{transform_indices = #map}, {transform_indices = #map1}, {transform_indices = #map1}]} {
    %mul3A = arith.constant 2 : i32
    %mul3A_0 = arith.muli %arg1, %mul3A : i32
    %add3A = arith.addi %mul3A_0, %arg0 : i32
    %mul3A_1 = arith.constant 1024 : i32
    %mul3A_2 = arith.muli %add3A, %mul3A_1 : i32
    "tpu.region"() ({
      %run_scoped3A = tpu.sem_alloc : memref<!tpu.dma_semaphore, #tpu.memory_space<semaphore_mem>>
      %dma_start3A_37 = tpu.memref_slice %arg2[%mul3A_2] : memref<32768xi32, #tpu.memory_space<hbm>> -> memref<1024xi32, #tpu.memory_space<hbm>>
      %dma_start3A_38 = tpu.memref_slice %arg2[%mul3A_2] : memref<32768xi32, #tpu.memory_space<hbm>> -> memref<1024xi32, #tpu.memory_space<hbm>>
      tpu.enqueue_dma source(%dma_start3A_38 : memref<1024xi32, #tpu.memory_space<hbm>>) target(%arg5 : memref<1024xi32, #tpu.memory_space<vmem>>) target_semaphore(%run_scoped3A : memref<!tpu.dma_semaphore, #tpu.memory_space<semaphore_mem>>)
      %dma_wait3A_39 = tpu.memref_slice %arg2[%mul3A_2] : memref<32768xi32, #tpu.memory_space<hbm>> -> memref<1024xi32, #tpu.memory_space<hbm>>
      %dma_wait3A_40 = tpu.memref_slice %arg2[%mul3A_2] : memref<32768xi32, #tpu.memory_space<hbm>> -> memref<1024xi32, #tpu.memory_space<hbm>>
      tpu.wait_dma2 semaphore(%run_scoped3A : memref<!tpu.dma_semaphore, #tpu.memory_space<semaphore_mem>>) src(%dma_wait3A_40 : memref<1024xi32, #tpu.memory_space<hbm>>) dst(%arg5 : memref<1024xi32, #tpu.memory_space<vmem>>)
      tpu.yield
    }) : () -> ()
    %multiple_of3A = arith.constant 0 : i32
    %multiple_of3A_3 = tpu.assume_multiple %multiple_of3A, 8 : i32
    %dma_start3A = tpu.memref_slice %arg5[%multiple_of3A_3] : memref<1024xi32, #tpu.memory_space<vmem>> -> memref<16xi32, #tpu.memory_space<vmem>>
    %dma_start3A_4 = arith.constant 0 : i32
    %dma_start3A_5 = arith.constant 0 : i32
    %dma_start3A_6 = tpu.memref_slice %arg3[%dma_start3A_4, %dma_start3A_5] : memref<8192x1024xf32, #tpu.memory_space<hbm>> -> memref<8192x1024xf32, #tpu.memory_space<hbm>>
    tpu.enqueue_indirect_dma source(%dma_start3A_6 : memref<8192x1024xf32, #tpu.memory_space<hbm>>) target(%arg6 : memref<16x1024xf32, #tpu.memory_space<vmem>>) offsets(%dma_start3A : memref<16xi32, #tpu.memory_space<vmem>>) semaphore(%arg10 : memref<!tpu.dma_semaphore, #tpu.memory_space<semaphore_mem>>)
    %multiple_of3A_7 = arith.constant 16 : i32
    %multiple_of3A_8 = tpu.assume_multiple %multiple_of3A_7, 8 : i32
    %dma_start3A_9 = tpu.memref_slice %arg5[%multiple_of3A_8] : memref<1024xi32, #tpu.memory_space<vmem>> -> memref<16xi32, #tpu.memory_space<vmem>>
    %dma_start3A_10 = arith.constant 0 : i32
    %dma_start3A_11 = arith.constant 0 : i32
    %dma_start3A_12 = tpu.memref_slice %arg3[%dma_start3A_10, %dma_start3A_11] : memref<8192x1024xf32, #tpu.memory_space<hbm>> -> memref<8192x1024xf32, #tpu.memory_space<hbm>>
    tpu.enqueue_indirect_dma source(%dma_start3A_12 : memref<8192x1024xf32, #tpu.memory_space<hbm>>) target(%arg7 : memref<16x1024xf32, #tpu.memory_space<vmem>>) offsets(%dma_start3A_9 : memref<16xi32, #tpu.memory_space<vmem>>) semaphore(%arg11 : memref<!tpu.dma_semaphore, #tpu.memory_space<semaphore_mem>>)
    %multiple_of3A_13 = arith.constant 32 : i32
    %multiple_of3A_14 = tpu.assume_multiple %multiple_of3A_13, 8 : i32
    %dma_start3A_15 = tpu.memref_slice %arg5[%multiple_of3A_14] : memref<1024xi32, #tpu.memory_space<vmem>> -> memref<16xi32, #tpu.memory_space<vmem>>
    %dma_start3A_16 = arith.constant 0 : i32
    %dma_start3A_17 = arith.constant 0 : i32
    %dma_start3A_18 = tpu.memref_slice %arg3[%dma_start3A_16, %dma_start3A_17] : memref<8192x1024xf32, #tpu.memory_space<hbm>> -> memref<8192x1024xf32, #tpu.memory_space<hbm>>
    tpu.enqueue_indirect_dma source(%dma_start3A_18 : memref<8192x1024xf32, #tpu.memory_space<hbm>>) target(%arg8 : memref<16x1024xf32, #tpu.memory_space<vmem>>) offsets(%dma_start3A_15 : memref<16xi32, #tpu.memory_space<vmem>>) semaphore(%arg12 : memref<!tpu.dma_semaphore, #tpu.memory_space<semaphore_mem>>)
    %scan3A = arith.constant 0 : i32
    %scan3A_19 = arith.constant 0 : i32
    %scan3A_20 = arith.constant 16 : i32
    %scan3A_21 = arith.addi %scan3A_19, %scan3A_20 : i32
    %scan3A_22 = arith.constant 1 : i32
    scf.for %scan3A_37 = %scan3A_19 to %scan3A_21 step %scan3A_22  : i32 {
      %mul3A_38 = arith.constant 4 : i32
      %mul3A_39 = arith.muli %scan3A_37, %mul3A_38 : i32
      %add3A_40 = arith.constant 0 : i32
      %add3A_41 = arith.addi %mul3A_39, %add3A_40 : i32
      %add3A_42 = arith.constant 3 : i32
      %add3A_43 = arith.addi %add3A_41, %add3A_42 : i32
      %lt3A = arith.constant 64 : i32
      %lt3A_44 = arith.cmpi slt, %add3A_43, %lt3A : i32
      %convert_element_type3A = arith.extui %lt3A_44 : i1 to i32
      %cond3A = arith.constant 0 : i32
      %cond3A_45 = arith.cmpi ne, %convert_element_type3A, %cond3A : i32
      scf.if %cond3A_45 {
        %mul3A_163 = arith.constant 16 : i32
        %mul3A_164 = arith.muli %add3A_43, %mul3A_163 : i32
        %multiple_of3A_165 = tpu.assume_multiple %mul3A_164, 8 : i32
        %dma_start3A_166 = tpu.memref_slice %arg5[%multiple_of3A_165] : memref<1024xi32, #tpu.memory_space<vmem>> -> memref<16xi32, #tpu.memory_space<vmem>>
        %dma_start3A_167 = arith.constant 0 : i32
        %dma_start3A_168 = arith.constant 0 : i32
        %dma_start3A_169 = tpu.memref_slice %arg3[%dma_start3A_167, %dma_start3A_168] : memref<8192x1024xf32, #tpu.memory_space<hbm>> -> memref<8192x1024xf32, #tpu.memory_space<hbm>>
        tpu.enqueue_indirect_dma source(%dma_start3A_169 : memref<8192x1024xf32, #tpu.memory_space<hbm>>) target(%arg9 : memref<16x1024xf32, #tpu.memory_space<vmem>>) offsets(%dma_start3A_166 : memref<16xi32, #tpu.memory_space<vmem>>) semaphore(%arg13 : memref<!tpu.dma_semaphore, #tpu.memory_space<semaphore_mem>>)
      } else {
      }
      %dma_wait3A_46 = arith.constant 0 : i32
      %dma_wait3A_47 = arith.constant 0 : i32
      %dma_wait3A_48 = tpu.memref_slice %arg3[%dma_wait3A_46, %dma_wait3A_47] : memref<8192x1024xf32, #tpu.memory_space<hbm>> -> memref<16x1024xf32, #tpu.memory_space<hbm>>
      %dma_wait3A_49 = arith.constant 0 : i32
      %dma_wait3A_50 = arith.constant 0 : i32
      %dma_wait3A_51 = tpu.memref_slice %arg3[%dma_wait3A_49, %dma_wait3A_50] : memref<8192x1024xf32, #tpu.memory_space<hbm>> -> memref<16x1024xf32, #tpu.memory_space<hbm>>
      tpu.wait_dma2 semaphore(%arg10 : memref<!tpu.dma_semaphore, #tpu.memory_space<semaphore_mem>>) src(%dma_wait3A_51 : memref<16x1024xf32, #tpu.memory_space<hbm>>) dst(%arg6 : memref<16x1024xf32, #tpu.memory_space<vmem>>)
      %mul3A_52 = arith.constant 16 : i32
      %mul3A_53 = arith.muli %add3A_41, %mul3A_52 : i32
      %multiple_of3A_54 = tpu.assume_multiple %mul3A_53, 8 : i32
      %ge3A = arith.constant 2 : i32
      %ge3A_55 = arith.cmpi sge, %add3A_41, %ge3A : i32
      %convert_element_type3A_56 = arith.extui %ge3A_55 : i1 to i32
      %cond3A_57 = arith.constant 0 : i32
      %cond3A_58 = arith.cmpi ne, %convert_element_type3A_56, %cond3A_57 : i32
      scf.if %cond3A_58 {
        %dma_wait3A_163 = arith.constant 0 : i32
        %dma_wait3A_164 = arith.constant 0 : i32
        %dma_wait3A_165 = tpu.memref_slice %arg4[%mul3A_2, %dma_wait3A_164] : memref<32768x1024xf32, #tpu.memory_space<hbm>> -> memref<16x1024xf32, #tpu.memory_space<hbm>>
        %dma_wait3A_166 = arith.constant 0 : i32
        %dma_wait3A_167 = arith.constant 0 : i32
        %dma_wait3A_168 = tpu.memref_slice %arg14[%arg1, %dma_wait3A_163, %dma_wait3A_166, %dma_wait3A_167] : memref<16x2x16x1024xf32, #tpu.memory_space<vmem_shared>> -> memref<1x1x16x1024xf32, #tpu.memory_space<vmem_shared>>
        %dma_wait3A_169 = tpu.memref_squeeze %dma_wait3A_168 : memref<1x1x16x1024xf32, #tpu.memory_space<vmem_shared>> -> memref<16x1024xf32, #tpu.memory_space<vmem_shared>>
        tpu.wait_dma2 semaphore(%arg15 : memref<!tpu.dma_semaphore, #tpu.memory_space<semaphore_mem>>) src(%dma_wait3A_169 : memref<16x1024xf32, #tpu.memory_space<vmem_shared>>) dst(%dma_wait3A_165 : memref<16x1024xf32, #tpu.memory_space<hbm>>)
      } else {
      }
      %run_scoped3A = arith.constant 0 : i32
      "tpu.region"() ({
        %run_scoped3A_163 = tpu.sem_alloc : memref<!tpu.dma_semaphore, #tpu.memory_space<semaphore_mem>>
        %dma_start3A_164 = arith.constant 0 : i32
        %dma_start3A_165 = arith.constant 0 : i32
        %dma_start3A_166 = tpu.memref_slice %arg14[%arg1, %run_scoped3A, %dma_start3A_164, %dma_start3A_165] : memref<16x2x16x1024xf32, #tpu.memory_space<vmem_shared>> -> memref<1x1x16x1024xf32, #tpu.memory_space<vmem_shared>>
        %dma_start3A_167 = tpu.memref_squeeze %dma_start3A_166 : memref<1x1x16x1024xf32, #tpu.memory_space<vmem_shared>> -> memref<16x1024xf32, #tpu.memory_space<vmem_shared>>
        %dma_start3A_168 = arith.constant 0 : i32
        %dma_start3A_169 = arith.constant 0 : i32
        %dma_start3A_170 = tpu.memref_slice %arg14[%arg1, %run_scoped3A, %dma_start3A_168, %dma_start3A_169] : memref<16x2x16x1024xf32, #tpu.memory_space<vmem_shared>> -> memref<1x1x16x1024xf32, #tpu.memory_space<vmem_shared>>
        %dma_start3A_171 = tpu.memref_squeeze %dma_start3A_170 : memref<1x1x16x1024xf32, #tpu.memory_space<vmem_shared>> -> memref<16x1024xf32, #tpu.memory_space<vmem_shared>>
        tpu.enqueue_dma source(%arg6 : memref<16x1024xf32, #tpu.memory_space<vmem>>) target(%dma_start3A_171 : memref<16x1024xf32, #tpu.memory_space<vmem_shared>>) target_semaphore(%run_scoped3A_163 : memref<!tpu.dma_semaphore, #tpu.memory_space<semaphore_mem>>)
        %dma_wait3A_172 = arith.constant 0 : i32
        %dma_wait3A_173 = arith.constant 0 : i32
        %dma_wait3A_174 = tpu.memref_slice %arg14[%arg1, %run_scoped3A, %dma_wait3A_172, %dma_wait3A_173] : memref<16x2x16x1024xf32, #tpu.memory_space<vmem_shared>> -> memref<1x1x16x1024xf32, #tpu.memory_space<vmem_shared>>
        %dma_wait3A_175 = tpu.memref_squeeze %dma_wait3A_174 : memref<1x1x16x1024xf32, #tpu.memory_space<vmem_shared>> -> memref<16x1024xf32, #tpu.memory_space<vmem_shared>>
        %dma_wait3A_176 = arith.constant 0 : i32
        %dma_wait3A_177 = arith.constant 0 : i32
        %dma_wait3A_178 = tpu.memref_slice %arg14[%arg1, %run_scoped3A, %dma_wait3A_176, %dma_wait3A_177] : memref<16x2x16x1024xf32, #tpu.memory_space<vmem_shared>> -> memref<1x1x16x1024xf32, #tpu.memory_space<vmem_shared>>
        %dma_wait3A_179 = tpu.memref_squeeze %dma_wait3A_178 : memref<1x1x16x1024xf32, #tpu.memory_space<vmem_shared>> -> memref<16x1024xf32, #tpu.memory_space<vmem_shared>>
        tpu.wait_dma2 semaphore(%run_scoped3A_163 : memref<!tpu.dma_semaphore, #tpu.memory_space<semaphore_mem>>) src(%arg6 : memref<16x1024xf32, #tpu.memory_space<vmem>>) dst(%dma_wait3A_179 : memref<16x1024xf32, #tpu.memory_space<vmem_shared>>)
        tpu.yield
      }) : () -> ()
      %add3A_59 = arith.addi %mul3A_2, %multiple_of3A_54 : i32
      %dma_start3A_60 = arith.constant 0 : i32
      %dma_start3A_61 = arith.constant 0 : i32
      %dma_start3A_62 = tpu.memref_slice %arg4[%add3A_59, %dma_start3A_61] : memref<32768x1024xf32, #tpu.memory_space<hbm>> -> memref<16x1024xf32, #tpu.memory_space<hbm>>
      %dma_start3A_63 = arith.constant 0 : i32
      %dma_start3A_64 = arith.constant 0 : i32
      %dma_start3A_65 = tpu.memref_slice %arg14[%arg1, %dma_start3A_60, %dma_start3A_63, %dma_start3A_64] : memref<16x2x16x1024xf32, #tpu.memory_space<vmem_shared>> -> memref<1x1x16x1024xf32, #tpu.memory_space<vmem_shared>>
      %dma_start3A_66 = tpu.memref_squeeze %dma_start3A_65 : memref<1x1x16x1024xf32, #tpu.memory_space<vmem_shared>> -> memref<16x1024xf32, #tpu.memory_space<vmem_shared>>
      tpu.enqueue_dma source(%dma_start3A_66 : memref<16x1024xf32, #tpu.memory_space<vmem_shared>>) target(%dma_start3A_62 : memref<16x1024xf32, #tpu.memory_space<hbm>>) target_semaphore(%arg15 : memref<!tpu.dma_semaphore, #tpu.memory_space<semaphore_mem>>)
      %add3A_67 = arith.constant 1 : i32
      %add3A_68 = arith.addi %mul3A_39, %add3A_67 : i32
      %add3A_69 = arith.constant 3 : i32
      %add3A_70 = arith.addi %add3A_68, %add3A_69 : i32
      %lt3A_71 = arith.constant 64 : i32
      %lt3A_72 = arith.cmpi slt, %add3A_70, %lt3A_71 : i32
      %convert_element_type3A_73 = arith.extui %lt3A_72 : i1 to i32
      %cond3A_74 = arith.constant 0 : i32
      %cond3A_75 = arith.cmpi ne, %convert_element_type3A_73, %cond3A_74 : i32
      scf.if %cond3A_75 {
        %mul3A_163 = arith.constant 16 : i32
        %mul3A_164 = arith.muli %add3A_70, %mul3A_163 : i32
        %multiple_of3A_165 = tpu.assume_multiple %mul3A_164, 8 : i32
        %dma_start3A_166 = tpu.memref_slice %arg5[%multiple_of3A_165] : memref<1024xi32, #tpu.memory_space<vmem>> -> memref<16xi32, #tpu.memory_space<vmem>>
        %dma_start3A_167 = arith.constant 0 : i32
        %dma_start3A_168 = arith.constant 0 : i32
        %dma_start3A_169 = tpu.memref_slice %arg3[%dma_start3A_167, %dma_start3A_168] : memref<8192x1024xf32, #tpu.memory_space<hbm>> -> memref<8192x1024xf32, #tpu.memory_space<hbm>>
        tpu.enqueue_indirect_dma source(%dma_start3A_169 : memref<8192x1024xf32, #tpu.memory_space<hbm>>) target(%arg6 : memref<16x1024xf32, #tpu.memory_space<vmem>>) offsets(%dma_start3A_166 : memref<16xi32, #tpu.memory_space<vmem>>) semaphore(%arg10 : memref<!tpu.dma_semaphore, #tpu.memory_space<semaphore_mem>>)
      } else {
      }
      %dma_wait3A_76 = arith.constant 0 : i32
      %dma_wait3A_77 = arith.constant 0 : i32
      %dma_wait3A_78 = tpu.memref_slice %arg3[%dma_wait3A_76, %dma_wait3A_77] : memref<8192x1024xf32, #tpu.memory_space<hbm>> -> memref<16x1024xf32, #tpu.memory_space<hbm>>
      %dma_wait3A_79 = arith.constant 0 : i32
      %dma_wait3A_80 = arith.constant 0 : i32
      %dma_wait3A_81 = tpu.memref_slice %arg3[%dma_wait3A_79, %dma_wait3A_80] : memref<8192x1024xf32, #tpu.memory_space<hbm>> -> memref<16x1024xf32, #tpu.memory_space<hbm>>
      tpu.wait_dma2 semaphore(%arg11 : memref<!tpu.dma_semaphore, #tpu.memory_space<semaphore_mem>>) src(%dma_wait3A_81 : memref<16x1024xf32, #tpu.memory_space<hbm>>) dst(%arg7 : memref<16x1024xf32, #tpu.memory_space<vmem>>)
      %mul3A_82 = arith.constant 16 : i32
      %mul3A_83 = arith.muli %add3A_68, %mul3A_82 : i32
      %multiple_of3A_84 = tpu.assume_multiple %mul3A_83, 8 : i32
      %ge3A_85 = arith.constant 2 : i32
      %ge3A_86 = arith.cmpi sge, %add3A_68, %ge3A_85 : i32
      %convert_element_type3A_87 = arith.extui %ge3A_86 : i1 to i32
      %cond3A_88 = arith.constant 0 : i32
      %cond3A_89 = arith.cmpi ne, %convert_element_type3A_87, %cond3A_88 : i32
      scf.if %cond3A_89 {
        %dma_wait3A_163 = arith.constant 1 : i32
        %dma_wait3A_164 = arith.constant 0 : i32
        %dma_wait3A_165 = tpu.memref_slice %arg4[%mul3A_2, %dma_wait3A_164] : memref<32768x1024xf32, #tpu.memory_space<hbm>> -> memref<16x1024xf32, #tpu.memory_space<hbm>>
        %dma_wait3A_166 = arith.constant 0 : i32
        %dma_wait3A_167 = arith.constant 0 : i32
        %dma_wait3A_168 = tpu.memref_slice %arg14[%arg1, %dma_wait3A_163, %dma_wait3A_166, %dma_wait3A_167] : memref<16x2x16x1024xf32, #tpu.memory_space<vmem_shared>> -> memref<1x1x16x1024xf32, #tpu.memory_space<vmem_shared>>
        %dma_wait3A_169 = tpu.memref_squeeze %dma_wait3A_168 : memref<1x1x16x1024xf32, #tpu.memory_space<vmem_shared>> -> memref<16x1024xf32, #tpu.memory_space<vmem_shared>>
        tpu.wait_dma2 semaphore(%arg16 : memref<!tpu.dma_semaphore, #tpu.memory_space<semaphore_mem>>) src(%dma_wait3A_169 : memref<16x1024xf32, #tpu.memory_space<vmem_shared>>) dst(%dma_wait3A_165 : memref<16x1024xf32, #tpu.memory_space<hbm>>)
      } else {
      }
      %run_scoped3A_90 = arith.constant 1 : i32
      "tpu.region"() ({
        %run_scoped3A_163 = tpu.sem_alloc : memref<!tpu.dma_semaphore, #tpu.memory_space<semaphore_mem>>
        %dma_start3A_164 = arith.constant 0 : i32
        %dma_start3A_165 = arith.constant 0 : i32
        %dma_start3A_166 = tpu.memref_slice %arg14[%arg1, %run_scoped3A_90, %dma_start3A_164, %dma_start3A_165] : memref<16x2x16x1024xf32, #tpu.memory_space<vmem_shared>> -> memref<1x1x16x1024xf32, #tpu.memory_space<vmem_shared>>
        %dma_start3A_167 = tpu.memref_squeeze %dma_start3A_166 : memref<1x1x16x1024xf32, #tpu.memory_space<vmem_shared>> -> memref<16x1024xf32, #tpu.memory_space<vmem_shared>>
        %dma_start3A_168 = arith.constant 0 : i32
        %dma_start3A_169 = arith.constant 0 : i32
        %dma_start3A_170 = tpu.memref_slice %arg14[%arg1, %run_scoped3A_90, %dma_start3A_168, %dma_start3A_169] : memref<16x2x16x1024xf32, #tpu.memory_space<vmem_shared>> -> memref<1x1x16x1024xf32, #tpu.memory_space<vmem_shared>>
        %dma_start3A_171 = tpu.memref_squeeze %dma_start3A_170 : memref<1x1x16x1024xf32, #tpu.memory_space<vmem_shared>> -> memref<16x1024xf32, #tpu.memory_space<vmem_shared>>
        tpu.enqueue_dma source(%arg7 : memref<16x1024xf32, #tpu.memory_space<vmem>>) target(%dma_start3A_171 : memref<16x1024xf32, #tpu.memory_space<vmem_shared>>) target_semaphore(%run_scoped3A_163 : memref<!tpu.dma_semaphore, #tpu.memory_space<semaphore_mem>>)
        %dma_wait3A_172 = arith.constant 0 : i32
        %dma_wait3A_173 = arith.constant 0 : i32
        %dma_wait3A_174 = tpu.memref_slice %arg14[%arg1, %run_scoped3A_90, %dma_wait3A_172, %dma_wait3A_173] : memref<16x2x16x1024xf32, #tpu.memory_space<vmem_shared>> -> memref<1x1x16x1024xf32, #tpu.memory_space<vmem_shared>>
        %dma_wait3A_175 = tpu.memref_squeeze %dma_wait3A_174 : memref<1x1x16x1024xf32, #tpu.memory_space<vmem_shared>> -> memref<16x1024xf32, #tpu.memory_space<vmem_shared>>
        %dma_wait3A_176 = arith.constant 0 : i32
        %dma_wait3A_177 = arith.constant 0 : i32
        %dma_wait3A_178 = tpu.memref_slice %arg14[%arg1, %run_scoped3A_90, %dma_wait3A_176, %dma_wait3A_177] : memref<16x2x16x1024xf32, #tpu.memory_space<vmem_shared>> -> memref<1x1x16x1024xf32, #tpu.memory_space<vmem_shared>>
        %dma_wait3A_179 = tpu.memref_squeeze %dma_wait3A_178 : memref<1x1x16x1024xf32, #tpu.memory_space<vmem_shared>> -> memref<16x1024xf32, #tpu.memory_space<vmem_shared>>
        tpu.wait_dma2 semaphore(%run_scoped3A_163 : memref<!tpu.dma_semaphore, #tpu.memory_space<semaphore_mem>>) src(%arg7 : memref<16x1024xf32, #tpu.memory_space<vmem>>) dst(%dma_wait3A_179 : memref<16x1024xf32, #tpu.memory_space<vmem_shared>>)
        tpu.yield
      }) : () -> ()
      %add3A_91 = arith.addi %mul3A_2, %multiple_of3A_84 : i32
      %dma_start3A_92 = arith.constant 1 : i32
      %dma_start3A_93 = arith.constant 0 : i32
      %dma_start3A_94 = tpu.memref_slice %arg4[%add3A_91, %dma_start3A_93] : memref<32768x1024xf32, #tpu.memory_space<hbm>> -> memref<16x1024xf32, #tpu.memory_space<hbm>>
      %dma_start3A_95 = arith.constant 0 : i32
      %dma_start3A_96 = arith.constant 0 : i32
      %dma_start3A_97 = tpu.memref_slice %arg14[%arg1, %dma_start3A_92, %dma_start3A_95, %dma_start3A_96] : memref<16x2x16x1024xf32, #tpu.memory_space<vmem_shared>> -> memref<1x1x16x1024xf32, #tpu.memory_space<vmem_shared>>
      %dma_start3A_98 = tpu.memref_squeeze %dma_start3A_97 : memref<1x1x16x1024xf32, #tpu.memory_space<vmem_shared>> -> memref<16x1024xf32, #tpu.memory_space<vmem_shared>>
      tpu.enqueue_dma source(%dma_start3A_98 : memref<16x1024xf32, #tpu.memory_space<vmem_shared>>) target(%dma_start3A_94 : memref<16x1024xf32, #tpu.memory_space<hbm>>) target_semaphore(%arg16 : memref<!tpu.dma_semaphore, #tpu.memory_space<semaphore_mem>>)
      %add3A_99 = arith.constant 2 : i32
      %add3A_100 = arith.addi %mul3A_39, %add3A_99 : i32
      %add3A_101 = arith.constant 3 : i32
      %add3A_102 = arith.addi %add3A_100, %add3A_101 : i32
      %lt3A_103 = arith.constant 64 : i32
      %lt3A_104 = arith.cmpi slt, %add3A_102, %lt3A_103 : i32
      %convert_element_type3A_105 = arith.extui %lt3A_104 : i1 to i32
      %cond3A_106 = arith.constant 0 : i32
      %cond3A_107 = arith.cmpi ne, %convert_element_type3A_105, %cond3A_106 : i32
      scf.if %cond3A_107 {
        %mul3A_163 = arith.constant 16 : i32
        %mul3A_164 = arith.muli %add3A_102, %mul3A_163 : i32
        %multiple_of3A_165 = tpu.assume_multiple %mul3A_164, 8 : i32
        %dma_start3A_166 = tpu.memref_slice %arg5[%multiple_of3A_165] : memref<1024xi32, #tpu.memory_space<vmem>> -> memref<16xi32, #tpu.memory_space<vmem>>
        %dma_start3A_167 = arith.constant 0 : i32
        %dma_start3A_168 = arith.constant 0 : i32
        %dma_start3A_169 = tpu.memref_slice %arg3[%dma_start3A_167, %dma_start3A_168] : memref<8192x1024xf32, #tpu.memory_space<hbm>> -> memref<8192x1024xf32, #tpu.memory_space<hbm>>
        tpu.enqueue_indirect_dma source(%dma_start3A_169 : memref<8192x1024xf32, #tpu.memory_space<hbm>>) target(%arg7 : memref<16x1024xf32, #tpu.memory_space<vmem>>) offsets(%dma_start3A_166 : memref<16xi32, #tpu.memory_space<vmem>>) semaphore(%arg11 : memref<!tpu.dma_semaphore, #tpu.memory_space<semaphore_mem>>)
      } else {
      }
      %dma_wait3A_108 = arith.constant 0 : i32
      %dma_wait3A_109 = arith.constant 0 : i32
      %dma_wait3A_110 = tpu.memref_slice %arg3[%dma_wait3A_108, %dma_wait3A_109] : memref<8192x1024xf32, #tpu.memory_space<hbm>> -> memref<16x1024xf32, #tpu.memory_space<hbm>>
      %dma_wait3A_111 = arith.constant 0 : i32
      %dma_wait3A_112 = arith.constant 0 : i32
      %dma_wait3A_113 = tpu.memref_slice %arg3[%dma_wait3A_111, %dma_wait3A_112] : memref<8192x1024xf32, #tpu.memory_space<hbm>> -> memref<16x1024xf32, #tpu.memory_space<hbm>>
      tpu.wait_dma2 semaphore(%arg12 : memref<!tpu.dma_semaphore, #tpu.memory_space<semaphore_mem>>) src(%dma_wait3A_113 : memref<16x1024xf32, #tpu.memory_space<hbm>>) dst(%arg8 : memref<16x1024xf32, #tpu.memory_space<vmem>>)
      %mul3A_114 = arith.constant 16 : i32
      %mul3A_115 = arith.muli %add3A_100, %mul3A_114 : i32
      %multiple_of3A_116 = tpu.assume_multiple %mul3A_115, 8 : i32
      %ge3A_117 = arith.constant 2 : i32
      %ge3A_118 = arith.cmpi sge, %add3A_100, %ge3A_117 : i32
      %convert_element_type3A_119 = arith.extui %ge3A_118 : i1 to i32
      %cond3A_120 = arith.constant 0 : i32
      %cond3A_121 = arith.cmpi ne, %convert_element_type3A_119, %cond3A_120 : i32
      scf.if %cond3A_121 {
        %dma_wait3A_163 = arith.constant 0 : i32
        %dma_wait3A_164 = arith.constant 0 : i32
        %dma_wait3A_165 = tpu.memref_slice %arg4[%mul3A_2, %dma_wait3A_164] : memref<32768x1024xf32, #tpu.memory_space<hbm>> -> memref<16x1024xf32, #tpu.memory_space<hbm>>
        %dma_wait3A_166 = arith.constant 0 : i32
        %dma_wait3A_167 = arith.constant 0 : i32
        %dma_wait3A_168 = tpu.memref_slice %arg14[%arg1, %dma_wait3A_163, %dma_wait3A_166, %dma_wait3A_167] : memref<16x2x16x1024xf32, #tpu.memory_space<vmem_shared>> -> memref<1x1x16x1024xf32, #tpu.memory_space<vmem_shared>>
        %dma_wait3A_169 = tpu.memref_squeeze %dma_wait3A_168 : memref<1x1x16x1024xf32, #tpu.memory_space<vmem_shared>> -> memref<16x1024xf32, #tpu.memory_space<vmem_shared>>
        tpu.wait_dma2 semaphore(%arg15 : memref<!tpu.dma_semaphore, #tpu.memory_space<semaphore_mem>>) src(%dma_wait3A_169 : memref<16x1024xf32, #tpu.memory_space<vmem_shared>>) dst(%dma_wait3A_165 : memref<16x1024xf32, #tpu.memory_space<hbm>>)
      } else {
      }
      %run_scoped3A_122 = arith.constant 0 : i32
      "tpu.region"() ({
        %run_scoped3A_163 = tpu.sem_alloc : memref<!tpu.dma_semaphore, #tpu.memory_space<semaphore_mem>>
        %dma_start3A_164 = arith.constant 0 : i32
        %dma_start3A_165 = arith.constant 0 : i32
        %dma_start3A_166 = tpu.memref_slice %arg14[%arg1, %run_scoped3A_122, %dma_start3A_164, %dma_start3A_165] : memref<16x2x16x1024xf32, #tpu.memory_space<vmem_shared>> -> memref<1x1x16x1024xf32, #tpu.memory_space<vmem_shared>>
        %dma_start3A_167 = tpu.memref_squeeze %dma_start3A_166 : memref<1x1x16x1024xf32, #tpu.memory_space<vmem_shared>> -> memref<16x1024xf32, #tpu.memory_space<vmem_shared>>
        %dma_start3A_168 = arith.constant 0 : i32
        %dma_start3A_169 = arith.constant 0 : i32
        %dma_start3A_170 = tpu.memref_slice %arg14[%arg1, %run_scoped3A_122, %dma_start3A_168, %dma_start3A_169] : memref<16x2x16x1024xf32, #tpu.memory_space<vmem_shared>> -> memref<1x1x16x1024xf32, #tpu.memory_space<vmem_shared>>
        %dma_start3A_171 = tpu.memref_squeeze %dma_start3A_170 : memref<1x1x16x1024xf32, #tpu.memory_space<vmem_shared>> -> memref<16x1024xf32, #tpu.memory_space<vmem_shared>>
        tpu.enqueue_dma source(%arg8 : memref<16x1024xf32, #tpu.memory_space<vmem>>) target(%dma_start3A_171 : memref<16x1024xf32, #tpu.memory_space<vmem_shared>>) target_semaphore(%run_scoped3A_163 : memref<!tpu.dma_semaphore, #tpu.memory_space<semaphore_mem>>)
        %dma_wait3A_172 = arith.constant 0 : i32
        %dma_wait3A_173 = arith.constant 0 : i32
        %dma_wait3A_174 = tpu.memref_slice %arg14[%arg1, %run_scoped3A_122, %dma_wait3A_172, %dma_wait3A_173] : memref<16x2x16x1024xf32, #tpu.memory_space<vmem_shared>> -> memref<1x1x16x1024xf32, #tpu.memory_space<vmem_shared>>
        %dma_wait3A_175 = tpu.memref_squeeze %dma_wait3A_174 : memref<1x1x16x1024xf32, #tpu.memory_space<vmem_shared>> -> memref<16x1024xf32, #tpu.memory_space<vmem_shared>>
        %dma_wait3A_176 = arith.constant 0 : i32
        %dma_wait3A_177 = arith.constant 0 : i32
        %dma_wait3A_178 = tpu.memref_slice %arg14[%arg1, %run_scoped3A_122, %dma_wait3A_176, %dma_wait3A_177] : memref<16x2x16x1024xf32, #tpu.memory_space<vmem_shared>> -> memref<1x1x16x1024xf32, #tpu.memory_space<vmem_shared>>
        %dma_wait3A_179 = tpu.memref_squeeze %dma_wait3A_178 : memref<1x1x16x1024xf32, #tpu.memory_space<vmem_shared>> -> memref<16x1024xf32, #tpu.memory_space<vmem_shared>>
        tpu.wait_dma2 semaphore(%run_scoped3A_163 : memref<!tpu.dma_semaphore, #tpu.memory_space<semaphore_mem>>) src(%arg8 : memref<16x1024xf32, #tpu.memory_space<vmem>>) dst(%dma_wait3A_179 : memref<16x1024xf32, #tpu.memory_space<vmem_shared>>)
        tpu.yield
      }) : () -> ()
      %add3A_123 = arith.addi %mul3A_2, %multiple_of3A_116 : i32
      %dma_start3A_124 = arith.constant 0 : i32
      %dma_start3A_125 = arith.constant 0 : i32
      %dma_start3A_126 = tpu.memref_slice %arg4[%add3A_123, %dma_start3A_125] : memref<32768x1024xf32, #tpu.memory_space<hbm>> -> memref<16x1024xf32, #tpu.memory_space<hbm>>
      %dma_start3A_127 = arith.constant 0 : i32
      %dma_start3A_128 = arith.constant 0 : i32
      %dma_start3A_129 = tpu.memref_slice %arg14[%arg1, %dma_start3A_124, %dma_start3A_127, %dma_start3A_128] : memref<16x2x16x1024xf32, #tpu.memory_space<vmem_shared>> -> memref<1x1x16x1024xf32, #tpu.memory_space<vmem_shared>>
      %dma_start3A_130 = tpu.memref_squeeze %dma_start3A_129 : memref<1x1x16x1024xf32, #tpu.memory_space<vmem_shared>> -> memref<16x1024xf32, #tpu.memory_space<vmem_shared>>
      tpu.enqueue_dma source(%dma_start3A_130 : memref<16x1024xf32, #tpu.memory_space<vmem_shared>>) target(%dma_start3A_126 : memref<16x1024xf32, #tpu.memory_space<hbm>>) target_semaphore(%arg15 : memref<!tpu.dma_semaphore, #tpu.memory_space<semaphore_mem>>)
      %add3A_131 = arith.constant 3 : i32
      %add3A_132 = arith.addi %mul3A_39, %add3A_131 : i32
      %add3A_133 = arith.constant 3 : i32
      %add3A_134 = arith.addi %add3A_132, %add3A_133 : i32
      %lt3A_135 = arith.constant 64 : i32
      %lt3A_136 = arith.cmpi slt, %add3A_134, %lt3A_135 : i32
      %convert_element_type3A_137 = arith.extui %lt3A_136 : i1 to i32
      %cond3A_138 = arith.constant 0 : i32
      %cond3A_139 = arith.cmpi ne, %convert_element_type3A_137, %cond3A_138 : i32
      scf.if %cond3A_139 {
        %mul3A_163 = arith.constant 16 : i32
        %mul3A_164 = arith.muli %add3A_134, %mul3A_163 : i32
        %multiple_of3A_165 = tpu.assume_multiple %mul3A_164, 8 : i32
        %dma_start3A_166 = tpu.memref_slice %arg5[%multiple_of3A_165] : memref<1024xi32, #tpu.memory_space<vmem>> -> memref<16xi32, #tpu.memory_space<vmem>>
        %dma_start3A_167 = arith.constant 0 : i32
        %dma_start3A_168 = arith.constant 0 : i32
        %dma_start3A_169 = tpu.memref_slice %arg3[%dma_start3A_167, %dma_start3A_168] : memref<8192x1024xf32, #tpu.memory_space<hbm>> -> memref<8192x1024xf32, #tpu.memory_space<hbm>>
        tpu.enqueue_indirect_dma source(%dma_start3A_169 : memref<8192x1024xf32, #tpu.memory_space<hbm>>) target(%arg8 : memref<16x1024xf32, #tpu.memory_space<vmem>>) offsets(%dma_start3A_166 : memref<16xi32, #tpu.memory_space<vmem>>) semaphore(%arg12 : memref<!tpu.dma_semaphore, #tpu.memory_space<semaphore_mem>>)
      } else {
      }
      %dma_wait3A_140 = arith.constant 0 : i32
      %dma_wait3A_141 = arith.constant 0 : i32
      %dma_wait3A_142 = tpu.memref_slice %arg3[%dma_wait3A_140, %dma_wait3A_141] : memref<8192x1024xf32, #tpu.memory_space<hbm>> -> memref<16x1024xf32, #tpu.memory_space<hbm>>
      %dma_wait3A_143 = arith.constant 0 : i32
      %dma_wait3A_144 = arith.constant 0 : i32
      %dma_wait3A_145 = tpu.memref_slice %arg3[%dma_wait3A_143, %dma_wait3A_144] : memref<8192x1024xf32, #tpu.memory_space<hbm>> -> memref<16x1024xf32, #tpu.memory_space<hbm>>
      tpu.wait_dma2 semaphore(%arg13 : memref<!tpu.dma_semaphore, #tpu.memory_space<semaphore_mem>>) src(%dma_wait3A_145 : memref<16x1024xf32, #tpu.memory_space<hbm>>) dst(%arg9 : memref<16x1024xf32, #tpu.memory_space<vmem>>)
      %mul3A_146 = arith.constant 16 : i32
      %mul3A_147 = arith.muli %add3A_132, %mul3A_146 : i32
      %multiple_of3A_148 = tpu.assume_multiple %mul3A_147, 8 : i32
      %ge3A_149 = arith.constant 2 : i32
      %ge3A_150 = arith.cmpi sge, %add3A_132, %ge3A_149 : i32
      %convert_element_type3A_151 = arith.extui %ge3A_150 : i1 to i32
      %cond3A_152 = arith.constant 0 : i32
      %cond3A_153 = arith.cmpi ne, %convert_element_type3A_151, %cond3A_152 : i32
      scf.if %cond3A_153 {
        %dma_wait3A_163 = arith.constant 1 : i32
        %dma_wait3A_164 = arith.constant 0 : i32
        %dma_wait3A_165 = tpu.memref_slice %arg4[%mul3A_2, %dma_wait3A_164] : memref<32768x1024xf32, #tpu.memory_space<hbm>> -> memref<16x1024xf32, #tpu.memory_space<hbm>>
        %dma_wait3A_166 = arith.constant 0 : i32
        %dma_wait3A_167 = arith.constant 0 : i32
        %dma_wait3A_168 = tpu.memref_slice %arg14[%arg1, %dma_wait3A_163, %dma_wait3A_166, %dma_wait3A_167] : memref<16x2x16x1024xf32, #tpu.memory_space<vmem_shared>> -> memref<1x1x16x1024xf32, #tpu.memory_space<vmem_shared>>
        %dma_wait3A_169 = tpu.memref_squeeze %dma_wait3A_168 : memref<1x1x16x1024xf32, #tpu.memory_space<vmem_shared>> -> memref<16x1024xf32, #tpu.memory_space<vmem_shared>>
        tpu.wait_dma2 semaphore(%arg16 : memref<!tpu.dma_semaphore, #tpu.memory_space<semaphore_mem>>) src(%dma_wait3A_169 : memref<16x1024xf32, #tpu.memory_space<vmem_shared>>) dst(%dma_wait3A_165 : memref<16x1024xf32, #tpu.memory_space<hbm>>)
      } else {
      }
      %run_scoped3A_154 = arith.constant 1 : i32
      "tpu.region"() ({
        %run_scoped3A_163 = tpu.sem_alloc : memref<!tpu.dma_semaphore, #tpu.memory_space<semaphore_mem>>
        %dma_start3A_164 = arith.constant 0 : i32
        %dma_start3A_165 = arith.constant 0 : i32
        %dma_start3A_166 = tpu.memref_slice %arg14[%arg1, %run_scoped3A_154, %dma_start3A_164, %dma_start3A_165] : memref<16x2x16x1024xf32, #tpu.memory_space<vmem_shared>> -> memref<1x1x16x1024xf32, #tpu.memory_space<vmem_shared>>
        %dma_start3A_167 = tpu.memref_squeeze %dma_start3A_166 : memref<1x1x16x1024xf32, #tpu.memory_space<vmem_shared>> -> memref<16x1024xf32, #tpu.memory_space<vmem_shared>>
        %dma_start3A_168 = arith.constant 0 : i32
        %dma_start3A_169 = arith.constant 0 : i32
        %dma_start3A_170 = tpu.memref_slice %arg14[%arg1, %run_scoped3A_154, %dma_start3A_168, %dma_start3A_169] : memref<16x2x16x1024xf32, #tpu.memory_space<vmem_shared>> -> memref<1x1x16x1024xf32, #tpu.memory_space<vmem_shared>>
        %dma_start3A_171 = tpu.memref_squeeze %dma_start3A_170 : memref<1x1x16x1024xf32, #tpu.memory_space<vmem_shared>> -> memref<16x1024xf32, #tpu.memory_space<vmem_shared>>
        tpu.enqueue_dma source(%arg9 : memref<16x1024xf32, #tpu.memory_space<vmem>>) target(%dma_start3A_171 : memref<16x1024xf32, #tpu.memory_space<vmem_shared>>) target_semaphore(%run_scoped3A_163 : memref<!tpu.dma_semaphore, #tpu.memory_space<semaphore_mem>>)
        %dma_wait3A_172 = arith.constant 0 : i32
        %dma_wait3A_173 = arith.constant 0 : i32
        %dma_wait3A_174 = tpu.memref_slice %arg14[%arg1, %run_scoped3A_154, %dma_wait3A_172, %dma_wait3A_173] : memref<16x2x16x1024xf32, #tpu.memory_space<vmem_shared>> -> memref<1x1x16x1024xf32, #tpu.memory_space<vmem_shared>>
        %dma_wait3A_175 = tpu.memref_squeeze %dma_wait3A_174 : memref<1x1x16x1024xf32, #tpu.memory_space<vmem_shared>> -> memref<16x1024xf32, #tpu.memory_space<vmem_shared>>
        %dma_wait3A_176 = arith.constant 0 : i32
        %dma_wait3A_177 = arith.constant 0 : i32
        %dma_wait3A_178 = tpu.memref_slice %arg14[%arg1, %run_scoped3A_154, %dma_wait3A_176, %dma_wait3A_177] : memref<16x2x16x1024xf32, #tpu.memory_space<vmem_shared>> -> memref<1x1x16x1024xf32, #tpu.memory_space<vmem_shared>>
        %dma_wait3A_179 = tpu.memref_squeeze %dma_wait3A_178 : memref<1x1x16x1024xf32, #tpu.memory_space<vmem_shared>> -> memref<16x1024xf32, #tpu.memory_space<vmem_shared>>
        tpu.wait_dma2 semaphore(%run_scoped3A_163 : memref<!tpu.dma_semaphore, #tpu.memory_space<semaphore_mem>>) src(%arg9 : memref<16x1024xf32, #tpu.memory_space<vmem>>) dst(%dma_wait3A_179 : memref<16x1024xf32, #tpu.memory_space<vmem_shared>>)
        tpu.yield
      }) : () -> ()
      %add3A_155 = arith.addi %mul3A_2, %multiple_of3A_148 : i32
      %dma_start3A_156 = arith.constant 1 : i32
      %dma_start3A_157 = arith.constant 0 : i32
      %dma_start3A_158 = tpu.memref_slice %arg4[%add3A_155, %dma_start3A_157] : memref<32768x1024xf32, #tpu.memory_space<hbm>> -> memref<16x1024xf32, #tpu.memory_space<hbm>>
      %dma_start3A_159 = arith.constant 0 : i32
      %dma_start3A_160 = arith.constant 0 : i32
      %dma_start3A_161 = tpu.memref_slice %arg14[%arg1, %dma_start3A_156, %dma_start3A_159, %dma_start3A_160] : memref<16x2x16x1024xf32, #tpu.memory_space<vmem_shared>> -> memref<1x1x16x1024xf32, #tpu.memory_space<vmem_shared>>
      %dma_start3A_162 = tpu.memref_squeeze %dma_start3A_161 : memref<1x1x16x1024xf32, #tpu.memory_space<vmem_shared>> -> memref<16x1024xf32, #tpu.memory_space<vmem_shared>>
      tpu.enqueue_dma source(%dma_start3A_162 : memref<16x1024xf32, #tpu.memory_space<vmem_shared>>) target(%dma_start3A_158 : memref<16x1024xf32, #tpu.memory_space<hbm>>) target_semaphore(%arg16 : memref<!tpu.dma_semaphore, #tpu.memory_space<semaphore_mem>>)
    }
    %scan3A_23 = arith.constant 16 : i32
    %dma_wait3A = arith.constant 0 : i32
    %dma_wait3A_24 = arith.constant 0 : i32
    %dma_wait3A_25 = tpu.memref_slice %arg4[%mul3A_2, %dma_wait3A_24] : memref<32768x1024xf32, #tpu.memory_space<hbm>> -> memref<16x1024xf32, #tpu.memory_space<hbm>>
    %dma_wait3A_26 = arith.constant 0 : i32
    %dma_wait3A_27 = arith.constant 0 : i32
    %dma_wait3A_28 = tpu.memref_slice %arg14[%arg1, %dma_wait3A, %dma_wait3A_26, %dma_wait3A_27] : memref<16x2x16x1024xf32, #tpu.memory_space<vmem_shared>> -> memref<1x1x16x1024xf32, #tpu.memory_space<vmem_shared>>
    %dma_wait3A_29 = tpu.memref_squeeze %dma_wait3A_28 : memref<1x1x16x1024xf32, #tpu.memory_space<vmem_shared>> -> memref<16x1024xf32, #tpu.memory_space<vmem_shared>>
    tpu.wait_dma2 semaphore(%arg15 : memref<!tpu.dma_semaphore, #tpu.memory_space<semaphore_mem>>) src(%dma_wait3A_29 : memref<16x1024xf32, #tpu.memory_space<vmem_shared>>) dst(%dma_wait3A_25 : memref<16x1024xf32, #tpu.memory_space<hbm>>)
    %dma_wait3A_30 = arith.constant 1 : i32
    %dma_wait3A_31 = arith.constant 0 : i32
    %dma_wait3A_32 = tpu.memref_slice %arg4[%mul3A_2, %dma_wait3A_31] : memref<32768x1024xf32, #tpu.memory_space<hbm>> -> memref<16x1024xf32, #tpu.memory_space<hbm>>
    %dma_wait3A_33 = arith.constant 0 : i32
    %dma_wait3A_34 = arith.constant 0 : i32
    %dma_wait3A_35 = tpu.memref_slice %arg14[%arg1, %dma_wait3A_30, %dma_wait3A_33, %dma_wait3A_34] : memref<16x2x16x1024xf32, #tpu.memory_space<vmem_shared>> -> memref<1x1x16x1024xf32, #tpu.memory_space<vmem_shared>>
    %dma_wait3A_36 = tpu.memref_squeeze %dma_wait3A_35 : memref<1x1x16x1024xf32, #tpu.memory_space<vmem_shared>> -> memref<16x1024xf32, #tpu.memory_space<vmem_shared>>
    tpu.wait_dma2 semaphore(%arg16 : memref<!tpu.dma_semaphore, #tpu.memory_space<semaphore_mem>>) src(%dma_wait3A_36 : memref<16x1024xf32, #tpu.memory_space<vmem_shared>>) dst(%dma_wait3A_32 : memref<16x1024xf32, #tpu.memory_space<hbm>>)
    return
  }
}

</mosaic_0001>

<sc_bundles>
// kernel: kernel.3.cloned.1.call-start
scs
__scs_entry_jumppad:
0x0: {  	(pc) =	sbr.rel $0x88, $3  }
0x1: {  	(tag) =	ssettag $0x0;
	lr =	simm.s32 $0x1  }
0x2: {  	[smem:$0x3F9F] =	sst lr;
	_ =	strace $0xD0000000  }
0x3: {  	_ = 	snop  }
0x4: {  	_ = 	snop  }
0x5: {  	_ = 	snop  }
0x6: {  	_ = 	snop  }
0x7: {  	_ = 	snop  }
__scs_overlays_trampoline_lowered:
0x8: {  	[smem:$0x3FAE] =	sst s0  }
0x9: {  	[smem:$0x3FAF] =	sst s1  }
0xa: {  	[smem:$0x3FB0] =	sst s2  }
0xb: {  	[smem:$0x3FB1] =	sst s3  }
0xc: {  	[smem:$0x3FB2] =	sst s4  }
0xd: {  	[smem:$0x3FB3] =	sst s5  }
0xe: {  	[smem:$0x3FB4] =	sst s6  }
0xf: {  	[smem:$0x3FB5] =	sst s7  }
0x10: {  	[smem:$0x3FB6] =	sst s8  }
0x11: {  	[smem:$0x3FB7] =	sst s9;
	s0 =	simm.s32 @!p0 $0x0  }
0x12: {  	s1 =	sld [smem:$0x3F9D];
	s0 =	simm.s32 @p0 $0x1  }
0x13: {  	[smem:$0x3FB8] =	sst s0;
	s0 =	simm.s32 @!p1 $0x0  }
0x14: {  	s2 =	sld [smem:$0x3F9C];
	s0 =	simm.s32 @p1 $0x1  }
0x15: {  	[smem:$0x3FB9] =	sst s0;
	s0 =	simm.s32 @!p2 $0x0  }
0x16: {  	s3 =	sld [smem:$0x3FDB];
	s0 =	simm.s32 @p2 $0x1  }
0x17: {  	s4 =	simm.s32 $0x1BF5;
	[smem:$0x3FBB] =	sst s0  }
0x18: {  	s0 =	sld [smem:$0x3F9E];
	_ =	swait.ge [sflag:s4], $0x0  }
0x19: {  	s7 =	sld [smem:$0x3F9F]  }
0x1a: {  	s8 =	sadd.s32 $0xFFFFE003, lr  }
0x1b: {  	s9 =	sadd.s32 $0xFFFFFEF7, lr;
	s5 =	simm.s32 $0xFFFFFFFF;
	p2 =	slt.u32 s8, $0xFFFFF086  }
0x1c: {  	p1 =	slt.u32 s9, $0xF7A;
	s5 =	simm.s32 @!p2 $0x0  }
0x1d: {  	s5 =	simm.s32 @p1 $0x1;
	p0 =	seq.s32 s7, s2  }
0x1e: {  	s7 =	smul.u32 @!p0 $0xF7A, s2;
	p2 =	seq.s32 @!p0 s5, $0x0  }
0x1f: {  	s9 =	smul.u32 $0xF7A, s1;
	s8 =	simm.s32 @!p0 $0x1BF5;
	p2 =	por !p2, p0  }
0x20: {  	[sflag:s8] =	ssyncset.s32 @!p0 $0xFFFFF086;
	s6 =	sadd.s32 @!p0 s3, s7;
	s7 =	simm.s32 @!p0 $0x108  }
0x21: {  	s3 =	sadd.s32 s3, s9;
	s6 =	sadd.s32 @!p0 $0x88, s6;
	s7 =	simm.s32 @p2 $0x1082  }
0x22: {  	[simem:s7], [sflag:s8] =	dma.local @!p0 [hbm:s6], $0xF7A  }
0x23: {  	s9 =	sor.u32 $0xD0000000, s2;
	s6 =	simm.s32 $0x108;
	_ =	swait.ge @!p0 [sflag:s8], $0x0  }
0x24: {  	s3 =	sadd.s32 $0x88, s3;
	s6 =	simm.s32 @!p1 $0x1082;
	[sflag:s4] =	ssyncset.s32 $0xFFFFF086  }
0x25: {  	[simem:s6], [sflag:s4] =	dma.local [hbm:s3], $0xF7A  }
0x26: {  	[smem:$0x3F9F] =	sst s1;
	(tag) =	ssettag s2;
	_ =	strace s9  }
0x27: {  	s1 =	sld [smem:$0x3FAF]  }
0x28: {  	s2 =	sld [smem:$0x3FB0]  }
0x29: {  	s4 =	sld [smem:$0x3FB2]  }
0x2a: {  	p0 =	seq.s32 s5, $0x0;
	s5 =	sld [smem:$0x3FB3]  }
0x2b: {  	s6 =	sld [smem:$0x3FB4]  }
0x2c: {  	s7 =	sld [smem:$0x3FB5]  }
0x2d: {  	s3 =	simm.s32 $0x108;
	s8 =	sld [smem:$0x3FB6]  }
0x2e: {  	s3 =	simm.s32 @!p0 $0x1082;
	s9 =	sld [smem:$0x3FB7]  }
0x2f: {  	lr =	sadd.s32 s0, s3;
	s0 =	sld [smem:$0x3FAE]  }
0x30: {  	s3 =	sld [smem:$0x3FB1]  }
0x31: {  	[smem:$0x3FBA] =	sst s10  }
0x32: {  	s10 =	sld [smem:$0x3FB8];
	_ =	sdelay $0x3  }
0x33: {  	p0 =	seq.s32 s10, $0x1;
	s10 =	sld [smem:$0x3FBA];
	_ =	sdelay $0x3  }
0x34: {  	[smem:$0x3FBA] =	sst s10  }
0x35: {  	s10 =	sld [smem:$0x3FB9];
	_ =	sdelay $0x3  }
0x36: {  	p1 =	seq.s32 s10, $0x1;
	s10 =	sld [smem:$0x3FBA];
	_ =	sdelay $0x3  }
0x37: {  	[smem:$0x3FBA] =	sst s10  }
0x38: {  	s10 =	sld [smem:$0x3FBB]  }
0x39: {  	_ = 	snop;
	(pc) =	sbr.ind lr, $3  }
0x3a: {  	_ = 	snop  }
0x3b: {  	_ = 	snop  }
0x3c: {  	p2 =	seq.s32 s10, $0x1;
	s10 =	sld [smem:$0x3FBA]  }
0x3d: {  	_ =	shalt  }
0x3e: {  	_ =	shalt  }
0x3f: {  	_ =	shalt  }
0x40: {  	_ =	shalt  }
0x41: {  	_ =	shalt  }
0x42: {  	_ =	shalt  }
0x43: {  	_ =	shalt  }
0x44: {  	_ =	shalt  }
0x45: {  	_ =	shalt  }
0x46: {  	_ =	shalt  }
0x47: {  	_ =	shalt  }
0x48: {  	_ =	shalt  }
0x49: {  	_ =	shalt  }
0x4a: {  	_ =	shalt  }
0x4b: {  	_ =	shalt  }
0x4c: {  	_ =	shalt  }
0x4d: {  	_ =	shalt  }
0x4e: {  	_ =	shalt  }
0x4f: {  	_ =	shalt  }
0x50: {  	_ =	shalt  }
0x51: {  	_ =	shalt  }
0x52: {  	_ =	shalt  }
0x53: {  	_ =	shalt  }
0x54: {  	_ =	shalt  }
0x55: {  	_ =	shalt  }
0x56: {  	_ =	shalt  }
0x57: {  	_ =	shalt  }
0x58: {  	_ =	shalt  }
0x59: {  	_ =	shalt  }
0x5a: {  	_ =	shalt  }
0x5b: {  	_ =	shalt  }
0x5c: {  	_ =	shalt  }
0x5d: {  	_ =	shalt  }
0x5e: {  	_ =	shalt  }
0x5f: {  	_ =	shalt  }
0x60: {  	_ =	shalt  }
0x61: {  	_ =	shalt  }
0x62: {  	_ =	shalt  }
0x63: {  	_ =	shalt  }
0x64: {  	_ =	shalt  }
0x65: {  	_ =	shalt  }
0x66: {  	_ =	shalt  }
0x67: {  	_ =	shalt  }
0x68: {  	_ =	shalt  }
0x69: {  	_ =	shalt  }
0x6a: {  	_ =	shalt  }
0x6b: {  	_ =	shalt  }
0x6c: {  	_ =	shalt  }
0x6d: {  	_ =	shalt  }
0x6e: {  	_ =	shalt  }
0x6f: {  	_ =	shalt  }
0x70: {  	_ =	shalt  }
0x71: {  	_ =	shalt  }
0x72: {  	_ =	shalt  }
0x73: {  	_ =	shalt  }
0x74: {  	_ =	shalt  }
0x75: {  	_ =	shalt  }
0x76: {  	_ =	shalt  }
0x77: {  	_ =	shalt  }
0x78: {  	_ =	shalt  }
0x79: {  	_ =	shalt  }
0x7a: {  	_ =	shalt  }
0x7b: {  	_ =	shalt  }
0x7c: {  	_ =	shalt  }
0x7d: {  	_ =	shalt  }
0x7e: {  	_ =	shalt  }
0x7f: {  	_ =	shalt  }
0x80: {  	_ =	shalt  }
0x81: {  	_ =	shalt  }
0x82: {  	_ =	shalt  }
0x83: {  	_ =	shalt  }
0x84: {  	_ =	shalt  }
0x85: {  	_ =	shalt  }
0x86: {  	_ =	shalt  }
0x87: {  	_ =	shalt  }
.Lfunc_end0:
.L_simem_size_0:
called_computation_lowered:
.L_overlay_start_0:
0x88: {  	s2 =	sld [smem:$0x3FD9]  }
0x89: {  	s3 =	sld [smem:$0x3FFE];
	_ =	sdelay $0x1  }
0x8a: {  	s1 =	srdreg.scid  }
0x8b: {  	s0 =	sand.u32 $0x1, s1  }
0x8c: {  	s17 =	sshll.u32 s0, $0xA;
	s2 =	sadd.s32 s3, s2  }
0x8d: {  	s2 =	sadd.s32 s2, s17  }
0x8e: {  	[smem:$0x3FC6] =	sst s2  }
0x8f: {  	_ = 	snop  }
0x90: {  	s2 =	sld [smem:$0x3FC8]  }
0x91: {  	s18 =	sld [smem:$0x3FD0];
	(tm) =	ssettm $0x1  }
0x92: {  	s4 =	sld [smem:$0x3FFB];
	_ =	sdelay $0x3  }
0x93: {  	_ =	strace s4  }
0x94: {  	s4 =	sld [smem:$0x3FFC];
	_ =	sdelay $0x3  }
0x95: {  	_ =	strace s4  }
0x96: {  	s4 =	sld [smem:$0x3FFD];
	_ =	sdelay $0x3  }
0x97: {  	_ =	strace s4  }
0x98: {  	_ =	strace $0x8FFFFFFF  }
0x99: {  	s19 =	sld [smem:$0x3FDB];
	_ =	sdelay $0x1  }
0x9a: {  	s5 =	simm.s32 $_scs_section_size  }
0x9b: {  	s6 =	simm.s32 $_size__tile_overlayer_lowered;
	s7 =	simm.s32 $_tile_overlayer_lowered  }
0x9c: {  	s22 =	simm.s32 $0x1BFF;
	s21 =	sshll.u32 s7, $0x1;
	s4 =	sadd.s32 s5, s19  }
0x9d: {  	s8 =	simm.s32 $0x0;
	s20 =	sshll.u32 s6, $0x1;
	s6 =	sadd.s32 s21, s4  }
0x9e: {  	[timem:s8], [sflag:s22] =	dma.local [hbm:s6], s20  }
0x9f: {  	_ =	swait.ge [sflag:s22], s20  }
0xa0: {  	s5 =	ssub.s32 $0x0, s20;
	[sflag:s22] =	ssyncset.done $0x0  }
0xa1: {  	[sflag:s22] =	ssyncadd.s32 s5;
	_ =	sdelay $0x1  }
0xa2: {  	s23 =	simm.s32 $0x1B8B  }
0xa3: {  	_ =	swait.ge [sflag:s23], $0x1  }
0xa4: {  	[sflag:s23] =	ssyncset.done $0x0  }
0xa5: {  	s25 =	simm.s32 $0x1B8E;
	s24 =	sld [smem:$0x3FFE];
	[sflag:s23] =	ssyncadd.s32 $0xFFFFFFFF  }
0xa6: {  	s26 =	simm.s32 $execute0_lowered;
	[smem:$0x3FD2] =	sst s25  }
0xa7: {  	s6 =	sshll.u32 s26, $0x1;
	_ =	strace $0x80000046;
	[dreg:$0x1] =	wrdreg $0xFFFFFFFF  }
0xa8: {  	s28 =	simm.s32 $_size_execute0_lowered;
	s4 =	sadd.s32 s4, s6;
	[dreg:$0x0] =	wrdreg $0x0  }
0xa9: {  	s6 =	sshll.u32 s28, $0x1;
	[dreg:$0x2] =	wrdreg s4  }
0xaa: {  	[dreg:$0x3] =	wrdreg s6  }
0xab: {  	[dreg:$0x4] =	wrdreg $0xC0  }
0xac: {  	_ =	task [dreg:s8], $0x5FFFF  }
0xad: {  	[dreg:$0x1] =	wrdreg $0xFFFFFFFF  }
0xae: {  	[dreg:$0x0] =	wrdreg $0x60  }
0xaf: {  	[dreg:$0x2] =	wrdreg s24  }
0xb0: {  	[dreg:$0x3] =	wrdreg s2  }
0xb1: {  	[dreg:$0x4] =	wrdreg s18  }
0xb2: {  	[dreg:$0x5] =	wrdreg $0x104000  }
0xb3: {  	[dreg:$0x6] =	wrdreg $0x9  }
0xb4: {  	_ =	task.clear_ibuf [dreg:s8], $0x7FFFF;
	_ =	strace $0x90000046  }
0xb5: {  	s29 =	simm.s32 $0x9;
	_ =	strace $0x80000048  }
0xb6: {  	_ =	swait.ge [sflag:s29], $0x1  }
0xb7: {  	[sflag:s29] =	ssyncadd.s32 $0xFFFFFFFF  }
0xb8: {  	_ =	strace $0x90000048  }
0xb9: {  	_ =	sfence  }
0xba: {  	s30 =	sld [smem:$0x0];
	_ =	sdelay $0x2  }
0xbb: {  	s31 =	sshll.u32 s1, $0xD;
	s1 =	sshrl.u32 s1, $0x2  }
0xbc: {  	s3 =	sand.u32 $0x4000, s31;
	s1 =	sadd.s32 s1, s30  }
0xbd: {  	s0 =	sor.u32 s3, s0;
	s1 =	sshll.u32 s1, $0x11  }
0xbe: {  	s0 =	sor.u32 s1, s0  }
0xbf: {  	s0 =	sadd.s32 $0x8F2B, s0  }
0xc0: {  	[sflag:s0] =	ssyncadd.remote.s32 $0x1  }
0xc1: {  	_ =	sfence.sel $0xFFFF  }
0xc2: {  	[dreg:$0x0] =	wrdreg $0xFFFFFFFF;
	(pc) =	sbr.abs _section_cstart, $3  }
0xc3: {  	[dreg:$0x1] =	wrdreg $0xFFFFFFFF  }
0xc4: {  	_ =	task.clear_ibuf [dreg:s8], $0x2FFFF;
	_ =	strace $0x9FFFFFFF  }
0xc5: {  	(tm) =	ssettm $0x7FFFFFFF  }
tec
execute0_lowered:
.L_overlay_start_1:
0x0: {  	(tag) =	ssettag $0x1  }
0x1: {  	s0 =	rddreg [dreg:$0x0]  }
0x2: {  	s2 =	rddreg [dreg:$0x1]  }
0x3: {  	s9 =	rddreg [dreg:$0x2];
	s3 =	srdreg.scid  }
0x4: {  	s8 =	rddreg [dreg:$0x3];
	s1 =	stileid.u32  }
0x5: {  	s23 =	simm.s32 $0xCC00;
	s24 =	simm.s32 $0xD400;
	s25 =	simm.s32 $0xDC00  }
0x6: {  	s26 =	simm.s32 $0xE400;
	s28 =	simm.s32 $0xEC00;
	s30 =	simm.s32 $0xF400  }
0x7: {  	s31 =	simm.s32 $0xFC00;
	s29 =	simm.s32 $0x8400;
	s17 =	simm.s32 $0xC400  }
0x8: {  	s18 =	simm.s32 $0x1;
	s10 =	sand.u32 $0x1, s3;
	s3 =	simm.s32 $0x0  }
0x9: {  	s4 =	sshll.u32 s1, $0xB;
	s7 =	sadd.s32 $0x300, s2;
	[smem:$0x7FF] =	sst s3  }
0xa: {  	s20 =	sshll.u32 s1, $0xF;
	_ =	strace $0x80000047;
	[dreg:$0x6] =	wrdreg s23  }
0xb: {  	s12 =	sshll.u32 s1, $0x12;
	s5 =	sshll.u32 s10, $0xA;
	[dreg:$0x7] =	wrdreg s24  }
0xc: {  	s19 =	ssub.s32 $0x2, s10;
	s8 =	sadd.s32 s20, s8;
	[dreg:$0x8] =	wrdreg s25  }
0xd: {  	s21 =	sadd.s32 s12, s9;
	s22 =	sshll.u32 s10, $0x11;
	[dreg:$0x9] =	wrdreg s26  }
0xe: {  	s12 =	simm.s32 $0x400;
	s20 =	simm.s32 $0x4400;
	[dreg:$0xa] =	wrdreg s28  }
0xf: {  	s4 =	sor.u32 s5, s4;
	s6 =	sshrl.u32 s19, $0x1;
	[dreg:$0xb] =	wrdreg s30  }
0x10: {  	s5 =	sadd.s32 $0x100, s2;
	s9 =	sadd.s32 $0x4000, s8;
	[dreg:$0xc] =	wrdreg s31  }
0x11: {  	s23 =	simm.s32 $0x4;
	s24 =	simm.s32 $0x6;
	s25 =	simm.s32 $0x0  }
0x12: {  	s4 =	sshrl.u32 s4, $0x3;
	s11 =	ssub.s32 s19, s6;
	s6 =	sadd.s32 $0x200, s2  }
0x13: {  	v2 =	vlaneseq.u32;
	s19 =	simm.s32 $0x2;
	s0 =	sadd.s32 s4, s0;
	s10 =	smax.u32 s11, $0x1  }
0x14: {  	vm0 =	vmmov $0xffff;
	v1 =	vshrl.u32 v2, $0x3;
	s11 =	simm.s32 $0x7;
	s4 =	sadd.s32 $0x400, s0;
	s0 =	sadd.s32 s22, s21  }
0x15: {  	v0 =	vand.u32 $0x7, v2;
	v2 =	vor.u32 $0x8, v2;
	v1 =	vmul.u32 $0x8, v1;
	s21 =	simm.s32 $0x3;
	s22 =	simm.s32 $0x5;
	[dreg:$0x5] =	wrdreg s0  }
.LBB2_1:
0x16: {  	[tilespmem:s3], [sflag:$0x7] =	stream.linear.gather [hbm4b:s4+s3], $0x400, $0x38;
	[tilespmem:$0x18400] =	vst v63  }
0x17: {  	_ =	swait.ge [sflag:s11], $0x400  }
0x18: {  	[sflag:s11] =	ssyncset.done $0x0  }
0x19: {  	[sflag:s11] =	ssyncadd.s32 $0xFFFFFC00  }
0x1a: {  	v3 =	vld [tilespmem:$0x0];
	_ =	sdelay $0x4  }
0x1b: {  	v4 =	vshll.u32 v3, $0x3  }
0x1c: {  	v3 =	vand.u32 $0x7, v3;
	v4 =	vand.u32 $0xFFFFFFC0, v4  }
0x1d: {  	v3 =	vor.u32 v3, v4  }
0x1e: {  	v4 =	vperm.xlane v3, v0;
	_ =	sdelay $0x1  }
0x1f: {  	v4 =	vadd.s32 v1, v4;
	_ =	sdelay $0x4  }
0x20: {  	[tilespmem:s12], [sflag:$0x1] =	stream.indirect_vreg.gather [hbm4b:s2+s3], $0x80, v4, vm0, $0xb8;
	[tilespmem:$0x18400] =	vst v63  }
0x21: {  	s0 =	simm.s32 $0xC00;
	v3 =	vperm.xlane v3, v2  }
0x22: {  	[tilespmem:s0], [sflag:$0x1] =	stream.indirect_vreg.gather [hbm4b:s5+s3], $0x80, v4, vm0, $0xb8;
	[tilespmem:$0x18400] =	vst v63  }
0x23: {  	s14 =	simm.s32 $0x1400;
	v3 =	vadd.s32 v1, v3  }
0x24: {  	[tilespmem:s14], [sflag:$0x1] =	stream.indirect_vreg.gather [hbm4b:s6+s3], $0x80, v4, vm0, $0xb8;
	[tilespmem:$0x18400] =	vst v63  }
0x25: {  	s15 =	simm.s32 $0x1C00  }
0x26: {  	[tilespmem:s15], [sflag:$0x1] =	stream.indirect_vreg.gather [hbm4b:s7+s3], $0x80, v4, vm0, $0xb8;
	[tilespmem:$0x18400] =	vst v63  }
0x27: {  	s16 =	simm.s32 $0x2400  }
0x28: {  	[tilespmem:s16], [sflag:$0x1] =	stream.indirect_vreg.gather [hbm4b:s2+s3], $0x80, v3, vm0, $0xb8;
	[tilespmem:$0x18400] =	vst v63  }
0x29: {  	s26 =	simm.s32 $0x2C00  }
0x2a: {  	[tilespmem:s26], [sflag:$0x1] =	stream.indirect_vreg.gather [hbm4b:s5+s3], $0x80, v3, vm0, $0xb8;
	[tilespmem:$0x18400] =	vst v63  }
0x2b: {  	s30 =	simm.s32 $0x3400  }
0x2c: {  	[tilespmem:s30], [sflag:$0x1] =	stream.indirect_vreg.gather [hbm4b:s6+s3], $0x80, v3, vm0, $0xb8;
	[tilespmem:$0x18400] =	vst v63  }
0x2d: {  	s31 =	simm.s32 $0x3C00  }
0x2e: {  	[tilespmem:s31], [sflag:$0x1] =	stream.indirect_vreg.gather [hbm4b:s7+s3], $0x80, v3, vm0, $0xb8;
	[tilespmem:$0x18400] =	vst v63  }
0x2f: {  	v3 =	vld [tilespmem:$0x10];
	_ =	sdelay $0x4  }
0x30: {  	v62 =	vshll.u32 v3, $0x3  }
0x31: {  	v3 =	vand.u32 $0x7, v3;
	v4 =	vand.u32 $0xFFFFFFC0, v62  }
0x32: {  	v3 =	vor.u32 v3, v4  }
0x33: {  	v4 =	vperm.xlane v3, v0;
	_ =	sdelay $0x1  }
0x34: {  	v4 =	vadd.s32 v1, v4;
	_ =	sdelay $0x4  }
0x35: {  	[tilespmem:s20], [sflag:$0x2] =	stream.indirect_vreg.gather [hbm4b:s2+s3], $0x80, v4, vm0, $0xb8;
	[tilespmem:$0x18400] =	vst v63  }
0x36: {  	s13 =	simm.s32 $0x4C00;
	v3 =	vperm.xlane v3, v2  }
0x37: {  	[tilespmem:s13], [sflag:$0x2] =	stream.indirect_vreg.gather [hbm4b:s5+s3], $0x80, v4, vm0, $0xb8;
	[tilespmem:$0x18400] =	vst v63  }
0x38: {  	s14 =	simm.s32 $0x5400;
	v3 =	vadd.s32 v1, v3  }
0x39: {  	[tilespmem:s14], [sflag:$0x2] =	stream.indirect_vreg.gather [hbm4b:s6+s3], $0x80, v4, vm0, $0xb8;
	[tilespmem:$0x18400] =	vst v63  }
0x3a: {  	s15 =	simm.s32 $0x5C00  }
0x3b: {  	[tilespmem:s15], [sflag:$0x2] =	stream.indirect_vreg.gather [hbm4b:s7+s3], $0x80, v4, vm0, $0xb8;
	[tilespmem:$0x18400] =	vst v63  }
0x3c: {  	s16 =	simm.s32 $0x6400  }
0x3d: {  	[tilespmem:s16], [sflag:$0x2] =	stream.indirect_vreg.gather [hbm4b:s2+s3], $0x80, v3, vm0, $0xb8;
	[tilespmem:$0x18400] =	vst v63  }
0x3e: {  	s26 =	simm.s32 $0x6C00  }
0x3f: {  	[tilespmem:s26], [sflag:$0x2] =	stream.indirect_vreg.gather [hbm4b:s5+s3], $0x80, v3, vm0, $0xb8;
	[tilespmem:$0x18400] =	vst v63  }
0x40: {  	s30 =	simm.s32 $0x7400  }
0x41: {  	[tilespmem:s30], [sflag:$0x2] =	stream.indirect_vreg.gather [hbm4b:s6+s3], $0x80, v3, vm0, $0xb8;
	[tilespmem:$0x18400] =	vst v63  }
0x42: {  	s31 =	simm.s32 $0x7C00  }
0x43: {  	[tilespmem:s31], [sflag:$0x2] =	stream.indirect_vreg.gather [hbm4b:s7+s3], $0x80, v3, vm0, $0xb8;
	[tilespmem:$0x18400] =	vst v63  }
0x44: {  	v3 =	vld [tilespmem:$0x20];
	_ =	sdelay $0x4  }
0x45: {  	v63 =	vshll.u32 v3, $0x3  }
0x46: {  	v3 =	vand.u32 $0x7, v3;
	v4 =	vand.u32 $0xFFFFFFC0, v63  }
0x47: {  	v3 =	vor.u32 v3, v4  }
0x48: {  	v4 =	vperm.xlane v3, v0;
	_ =	sdelay $0x1  }
0x49: {  	v4 =	vadd.s32 v1, v4;
	_ =	sdelay $0x4  }
0x4a: {  	[tilespmem:s29], [sflag:$0x3] =	stream.indirect_vreg.gather [hbm4b:s2+s3], $0x80, v4, vm0, $0xb8;
	[tilespmem:$0x18400] =	vst v63  }
0x4b: {  	s13 =	simm.s32 $0x8C00;
	v3 =	vperm.xlane v3, v2  }
0x4c: {  	[tilespmem:s13], [sflag:$0x3] =	stream.indirect_vreg.gather [hbm4b:s5+s3], $0x80, v4, vm0, $0xb8;
	[tilespmem:$0x18400] =	vst v63  }
0x4d: {  	s14 =	simm.s32 $0x9400;
	v3 =	vadd.s32 v1, v3  }
0x4e: {  	[tilespmem:s14], [sflag:$0x3] =	stream.indirect_vreg.gather [hbm4b:s6+s3], $0x80, v4, vm0, $0xb8;
	[tilespmem:$0x18400] =	vst v63  }
0x4f: {  	s15 =	simm.s32 $0x9C00  }
0x50: {  	[tilespmem:s15], [sflag:$0x3] =	stream.indirect_vreg.gather [hbm4b:s7+s3], $0x80, v4, vm0, $0xb8;
	[tilespmem:$0x18400] =	vst v63  }
0x51: {  	s16 =	simm.s32 $0xA400  }
0x52: {  	[tilespmem:s16], [sflag:$0x3] =	stream.indirect_vreg.gather [hbm4b:s2+s3], $0x80, v3, vm0, $0xb8;
	[tilespmem:$0x18400] =	vst v63  }
0x53: {  	s26 =	simm.s32 $0xAC00  }
0x54: {  	[tilespmem:s26], [sflag:$0x3] =	stream.indirect_vreg.gather [hbm4b:s5+s3], $0x80, v3, vm0, $0xb8;
	[tilespmem:$0x18400] =	vst v63  }
0x55: {  	s30 =	simm.s32 $0xB400  }
0x56: {  	[tilespmem:s30], [sflag:$0x3] =	stream.indirect_vreg.gather [hbm4b:s6+s3], $0x80, v3, vm0, $0xb8;
	[tilespmem:$0x18400] =	vst v63  }
0x57: {  	s28 =	simm.s32 $0x0;
	s31 =	simm.s32 $0xBC00;
	s26 =	simm.s32 $0x60  }
0x58: {  	[tilespmem:s31], [sflag:$0x3] =	stream.indirect_vreg.gather [hbm4b:s7+s3], $0x80, v3, vm0, $0xb8;
	[tilespmem:$0x18400] =	vst v63  }
.LBB2_2:
0x59: {  	v3 =	vld [tilespmem:s26+$0xFFFFFFD0];
	_ =	sdelay $0x4  }
0x5a: {  	v4 =	vshll.u32 v3, $0x3  }
0x5b: {  	v3 =	vand.u32 $0x7, v3;
	v4 =	vand.u32 $0xFFFFFFC0, v4  }
0x5c: {  	v3 =	vor.u32 v3, v4  }
0x5d: {  	v4 =	vperm.xlane v3, v0;
	_ =	sdelay $0x1  }
0x5e: {  	v4 =	vadd.s32 v1, v4;
	_ =	sdelay $0x4  }
0x5f: {  	[tilespmem:s17], [sflag:$0x4] =	stream.indirect_vreg.gather [hbm4b:s2+s3], $0x80, v4, vm0, $0xb8;
	[tilespmem:$0x18400] =	vst v63  }
0x60: {  	s0 =	rddreg [dreg:$0x6];
	v3 =	vperm.xlane v3, v2  }
0x61: {  	[tilespmem:s0], [sflag:$0x4] =	stream.indirect_vreg.gather [hbm4b:s5+s3], $0x80, v4, vm0, $0xb8;
	[tilespmem:$0x18400] =	vst v63  }
0x62: {  	s13 =	rddreg [dreg:$0x7];
	v3 =	vadd.s32 v1, v3  }
0x63: {  	[tilespmem:s13], [sflag:$0x4] =	stream.indirect_vreg.gather [hbm4b:s6+s3], $0x80, v4, vm0, $0xb8;
	[tilespmem:$0x18400] =	vst v63  }
0x64: {  	s30 =	rddreg [dreg:$0x8]  }
0x65: {  	[tilespmem:s30], [sflag:$0x4] =	stream.indirect_vreg.gather [hbm4b:s7+s3], $0x80, v4, vm0, $0xb8;
	[tilespmem:$0x18400] =	vst v63  }
0x66: {  	s31 =	rddreg [dreg:$0x9]  }
0x67: {  	[tilespmem:s31], [sflag:$0x4] =	stream.indirect_vreg.gather [hbm4b:s2+s3], $0x80, v3, vm0, $0xb8;
	[tilespmem:$0x18400] =	vst v63  }
0x68: {  	s14 =	rddreg [dreg:$0xa]  }
0x69: {  	[tilespmem:s14], [sflag:$0x4] =	stream.indirect_vreg.gather [hbm4b:s5+s3], $0x80, v3, vm0, $0xb8;
	[tilespmem:$0x18400] =	vst v63  }
0x6a: {  	s15 =	rddreg [dreg:$0xb]  }
0x6b: {  	[tilespmem:s15], [sflag:$0x4] =	stream.indirect_vreg.gather [hbm4b:s6+s3], $0x80, v3, vm0, $0xb8;
	[tilespmem:$0x18400] =	vst v63  }
0x6c: {  	s16 =	rddreg [dreg:$0xc]  }
0x6d: {  	[tilespmem:s16], [sflag:$0x4] =	stream.indirect_vreg.gather [hbm4b:s7+s3], $0x80, v3, vm0, $0xb8;
	[tilespmem:$0x18400] =	vst v63  }
0x6e: {  	_ =	swait.ge [sflag:s18], $0x4000  }
0x6f: {  	p1 =	seq.s32 s28, $0x0;
	[sflag:s18] =	ssyncset.done $0x0  }
0x70: {  	s0 =	simm.s32 @!p1 $0x5;
	[sflag:s18] =	ssyncadd.s32 $0xFFFFC000  }
0x71: {  	_ =	swait.ge @!p1 [sflag:s0], $0x800  }
0x72: {  	[sflag:s0] =	ssyncset.done @!p1 $0x0  }
0x73: {  	[sflag:s0] =	ssyncadd.s32 @!p1 $0xFFFFF800  }
0x74: {  	[spmem:s8] =	stream.linear.scatter [tilespmem:s12], [sflag:$0x7], $0x4000, $0x38;
	[tilespmem:$0x18400] =	vst v63  }
0x75: {  	p0 =	seq.s32 s28, $0x1E000;
	s13 =	sshrl.u32 s8, $0x3;
	_ =	swait.ge [sflag:s11], $0x4000  }
0x76: {  	s14 =	sshll.u32 s1, $0x6;
	s30 =	rddreg [dreg:$0x5];
	[sflag:s11] =	ssyncset.done $0x0  }
0x77: {  	s0 =	sor.u32 $0x1C05, s14;
	[sflag:s11] =	ssyncadd.s32 $0xFFFFC000;
	s30 =	sadd.s32 s28, s30  }
0x78: {  	[hbm:s30], [sflag:s0] =	dma.local [spmem:s13], $0x800  }
0x79: {  	v3 =	vld @!p0 [tilespmem:s26+$0xFFFFFFE0];
	_ =	sdelay $0x4  }
0x7a: {  	v4 =	vshll.u32 @!p0 v3, $0x3  }
0x7b: {  	v5 =	vlaneseq.u32 @!p0;
	v3 =	vand.u32 @!p0 $0x7, v3;
	v4 =	vand.u32 @!p0 $0xFFFFFFC0, v4  }
0x7c: {  	v6 =	vshrl.u32 @!p0 v5, $0x3;
	v3 =	vor.u32 @!p0 v3, v4;
	v4 =	vand.u32 @!p0 $0x7, v5  }
0x7d: {  	v6 =	vmul.u32 @!p0 $0x8, v6;
	v7 =	vperm.xlane @!p0 v3, v4;
	_ =	sdelay $0x1  }
0x7e: {  	v7 =	vadd.s32 @!p0 v6, v7;
	_ =	sdelay $0x3  }
0x7f: {  	vm1 =	vmmov @!p0 $0xffff;
	s31 =	simm.s32 @!p0 $0x0;
	s15 =	simm.s32 @!p0 $0x400  }
0x80: {  	v5 =	vor.u32 @!p0 $0x8, v5;
	[tilespmem:s15], [sflag:$0x1] =	stream.indirect_vreg.gather @!p0 [hbm4b:s2+s31], $0x80, v7, vm1, $0xb8;
	[tilespmem:$0x18400] =	vst v63  }
0x81: {  	v3 =	vperm.xlane @!p0 v3, v5;
	s15 =	simm.s32 @!p0 $0xC00  }
0x82: {  	[tilespmem:s15], [sflag:$0x1] =	stream.indirect_vreg.gather @!p0 [hbm4b:s5+s31], $0x80, v7, vm1, $0xb8;
	[tilespmem:$0x18400] =	vst v63  }
0x83: {  	v3 =	vadd.s32 @!p0 v6, v3;
	s15 =	simm.s32 @!p0 $0x1400  }
0x84: {  	[tilespmem:s15], [sflag:$0x1] =	stream.indirect_vreg.gather @!p0 [hbm4b:s6+s31], $0x80, v7, vm1, $0xb8;
	[tilespmem:$0x18400] =	vst v63  }
0x85: {  	s15 =	simm.s32 @!p0 $0x1C00  }
0x86: {  	[tilespmem:s15], [sflag:$0x1] =	stream.indirect_vreg.gather @!p0 [hbm4b:s7+s31], $0x80, v7, vm1, $0xb8;
	[tilespmem:$0x18400] =	vst v63  }
0x87: {  	s15 =	simm.s32 @!p0 $0x2400  }
0x88: {  	[tilespmem:s15], [sflag:$0x1] =	stream.indirect_vreg.gather @!p0 [hbm4b:s2+s31], $0x80, v3, vm1, $0xb8;
	[tilespmem:$0x18400] =	vst v63  }
0x89: {  	s15 =	simm.s32 @!p0 $0x2C00  }
0x8a: {  	[tilespmem:s15], [sflag:$0x1] =	stream.indirect_vreg.gather @!p0 [hbm4b:s5+s31], $0x80, v3, vm1, $0xb8;
	[tilespmem:$0x18400] =	vst v63  }
0x8b: {  	s15 =	simm.s32 @!p0 $0x3400  }
0x8c: {  	[tilespmem:s15], [sflag:$0x1] =	stream.indirect_vreg.gather @!p0 [hbm4b:s6+s31], $0x80, v3, vm1, $0xb8;
	[tilespmem:$0x18400] =	vst v63  }
0x8d: {  	s15 =	simm.s32 @!p0 $0x3C00  }
0x8e: {  	[tilespmem:s15], [sflag:$0x1] =	stream.indirect_vreg.gather @!p0 [hbm4b:s7+s31], $0x80, v3, vm1, $0xb8;
	[tilespmem:$0x18400] =	vst v63  }
0x8f: {  	_ =	swait.ge [sflag:s19], $0x4000  }
0x90: {  	[sflag:s19] =	ssyncset.done $0x0  }
0x91: {  	s15 =	simm.s32 @!p1 $0x6;
	[sflag:s19] =	ssyncadd.s32 $0xFFFFC000  }
0x92: {  	_ =	swait.ge @!p1 [sflag:s15], $0x800  }
0x93: {  	[sflag:s15] =	ssyncset.done @!p1 $0x0  }
0x94: {  	[sflag:s15] =	ssyncadd.s32 @!p1 $0xFFFFF800  }
0x95: {  	[spmem:s9] =	stream.linear.scatter [tilespmem:s20], [sflag:$0x7], $0x4000, $0x38;
	[tilespmem:$0x18400] =	vst v63  }
0x96: {  	_ =	swait.ge [sflag:s11], $0x4000  }
0x97: {  	s14 =	sor.u32 $0x1C06, s14;
	[sflag:s11] =	ssyncset.done $0x0  }
0x98: {  	s16 =	sadd.s32 $0x800, s30;
	s15 =	sshrl.u32 s9, $0x3;
	[sflag:s11] =	ssyncadd.s32 $0xFFFFC000  }
0x99: {  	[hbm:s16], [sflag:s14] =	dma.local [spmem:s15], $0x800  }
0x9a: {  	v3 =	vld @!p0 [tilespmem:s26+$0xFFFFFFF0];
	_ =	sdelay $0x4  }
0x9b: {  	v7 =	vshll.u32 @!p0 v3, $0x3  }
0x9c: {  	v3 =	vand.u32 @!p0 $0x7, v3;
	v7 =	vand.u32 @!p0 $0xFFFFFFC0, v7  }
0x9d: {  	v3 =	vor.u32 @!p0 v3, v7  }
0x9e: {  	v7 =	vperm.xlane @!p0 v3, v4;
	_ =	sdelay $0x1  }
0x9f: {  	v7 =	vadd.s32 @!p0 v6, v7;
	_ =	sdelay $0x3  }
0xa0: {  	s16 =	simm.s32 @!p0 $0x4400  }
0xa1: {  	[tilespmem:s16], [sflag:$0x2] =	stream.indirect_vreg.gather @!p0 [hbm4b:s2+s31], $0x80, v7, vm1, $0xb8;
	[tilespmem:$0x18400] =	vst v63  }
0xa2: {  	v3 =	vperm.xlane @!p0 v3, v5;
	s16 =	simm.s32 @!p0 $0x4C00  }
0xa3: {  	[tilespmem:s16], [sflag:$0x2] =	stream.indirect_vreg.gather @!p0 [hbm4b:s5+s31], $0x80, v7, vm1, $0xb8;
	[tilespmem:$0x18400] =	vst v63  }
0xa4: {  	v3 =	vadd.s32 @!p0 v6, v3;
	s16 =	simm.s32 @!p0 $0x5400  }
0xa5: {  	[tilespmem:s16], [sflag:$0x2] =	stream.indirect_vreg.gather @!p0 [hbm4b:s6+s31], $0x80, v7, vm1, $0xb8;
	[tilespmem:$0x18400] =	vst v63  }
0xa6: {  	s16 =	simm.s32 @!p0 $0x5C00  }
0xa7: {  	[tilespmem:s16], [sflag:$0x2] =	stream.indirect_vreg.gather @!p0 [hbm4b:s7+s31], $0x80, v7, vm1, $0xb8;
	[tilespmem:$0x18400] =	vst v63  }
0xa8: {  	s16 =	simm.s32 @!p0 $0x6400  }
0xa9: {  	[tilespmem:s16], [sflag:$0x2] =	stream.indirect_vreg.gather @!p0 [hbm4b:s2+s31], $0x80, v3, vm1, $0xb8;
	[tilespmem:$0x18400] =	vst v63  }
0xaa: {  	s16 =	simm.s32 @!p0 $0x6C00  }
0xab: {  	[tilespmem:s16], [sflag:$0x2] =	stream.indirect_vreg.gather @!p0 [hbm4b:s5+s31], $0x80, v3, vm1, $0xb8;
	[tilespmem:$0x18400] =	vst v63  }
0xac: {  	s16 =	simm.s32 @!p0 $0x7400  }
0xad: {  	[tilespmem:s16], [sflag:$0x2] =	stream.indirect_vreg.gather @!p0 [hbm4b:s6+s31], $0x80, v3, vm1, $0xb8;
	[tilespmem:$0x18400] =	vst v63  }
0xae: {  	s16 =	simm.s32 @!p0 $0x7C00  }
0xaf: {  	[tilespmem:s16], [sflag:$0x2] =	stream.indirect_vreg.gather @!p0 [hbm4b:s7+s31], $0x80, v3, vm1, $0xb8;
	[tilespmem:$0x18400] =	vst v63  }
0xb0: {  	_ =	swait.ge [sflag:s21], $0x4000  }
0xb1: {  	[sflag:s21] =	ssyncset.done $0x0  }
0xb2: {  	[sflag:s21] =	ssyncadd.s32 $0xFFFFC000  }
0xb3: {  	_ =	swait.ge [sflag:s22], $0x800  }
0xb4: {  	[sflag:s22] =	ssyncset.done $0x0  }
0xb5: {  	[sflag:s22] =	ssyncadd.s32 $0xFFFFF800  }
0xb6: {  	[spmem:s8] =	stream.linear.scatter [tilespmem:s29], [sflag:$0x7], $0x4000, $0x38;
	[tilespmem:$0x18400] =	vst v63  }
0xb7: {  	_ =	swait.ge [sflag:s11], $0x4000  }
0xb8: {  	[sflag:s11] =	ssyncset.done $0x0  }
0xb9: {  	s16 =	sadd.s32 $0x1000, s30;
	[sflag:s11] =	ssyncadd.s32 $0xFFFFC000  }
0xba: {  	[hbm:s16], [sflag:s0] =	dma.local [spmem:s13], $0x800  }
0xbb: {  	v3 =	vld @!p0 [tilespmem:s26+$0x0];
	_ =	sdelay $0x4  }
0xbc: {  	v7 =	vshll.u32 @!p0 v3, $0x3  }
0xbd: {  	v3 =	vand.u32 @!p0 $0x7, v3;
	v7 =	vand.u32 @!p0 $0xFFFFFFC0, v7  }
0xbe: {  	v3 =	vor.u32 @!p0 v3, v7  }
0xbf: {  	v4 =	vperm.xlane @!p0 v3, v4;
	_ =	sdelay $0x1  }
0xc0: {  	v4 =	vadd.s32 @!p0 v6, v4;
	_ =	sdelay $0x3  }
0xc1: {  	s0 =	simm.s32 @!p0 $0x8400  }
0xc2: {  	[tilespmem:s0], [sflag:$0x3] =	stream.indirect_vreg.gather @!p0 [hbm4b:s2+s31], $0x80, v4, vm1, $0xb8;
	[tilespmem:$0x18400] =	vst v63  }
0xc3: {  	v3 =	vperm.xlane @!p0 v3, v5;
	s0 =	simm.s32 @!p0 $0x8C00  }
0xc4: {  	[tilespmem:s0], [sflag:$0x3] =	stream.indirect_vreg.gather @!p0 [hbm4b:s5+s31], $0x80, v4, vm1, $0xb8;
	[tilespmem:$0x18400] =	vst v63  }
0xc5: {  	v3 =	vadd.s32 @!p0 v6, v3;
	s0 =	simm.s32 @!p0 $0x9400  }
0xc6: {  	[tilespmem:s0], [sflag:$0x3] =	stream.indirect_vreg.gather @!p0 [hbm4b:s6+s31], $0x80, v4, vm1, $0xb8;
	[tilespmem:$0x18400] =	vst v63  }
0xc7: {  	s0 =	simm.s32 @!p0 $0x9C00  }
0xc8: {  	[tilespmem:s0], [sflag:$0x3] =	stream.indirect_vreg.gather @!p0 [hbm4b:s7+s31], $0x80, v4, vm1, $0xb8;
	[tilespmem:$0x18400] =	vst v63  }
0xc9: {  	s0 =	simm.s32 @!p0 $0xA400  }
0xca: {  	[tilespmem:s0], [sflag:$0x3] =	stream.indirect_vreg.gather @!p0 [hbm4b:s2+s31], $0x80, v3, vm1, $0xb8;
	[tilespmem:$0x18400] =	vst v63  }
0xcb: {  	s0 =	simm.s32 @!p0 $0xAC00  }
0xcc: {  	[tilespmem:s0], [sflag:$0x3] =	stream.indirect_vreg.gather @!p0 [hbm4b:s5+s31], $0x80, v3, vm1, $0xb8;
	[tilespmem:$0x18400] =	vst v63  }
0xcd: {  	s0 =	simm.s32 @!p0 $0xB400  }
0xce: {  	[tilespmem:s0], [sflag:$0x3] =	stream.indirect_vreg.gather @!p0 [hbm4b:s6+s31], $0x80, v3, vm1, $0xb8;
	[tilespmem:$0x18400] =	vst v63  }
0xcf: {  	s0 =	simm.s32 @!p0 $0xBC00  }
0xd0: {  	[tilespmem:s0], [sflag:$0x3] =	stream.indirect_vreg.gather @!p0 [hbm4b:s7+s31], $0x80, v3, vm1, $0xb8;
	[tilespmem:$0x18400] =	vst v63  }
0xd1: {  	_ =	swait.ge [sflag:s23], $0x4000  }
0xd2: {  	[sflag:s23] =	ssyncset.done $0x0  }
0xd3: {  	[sflag:s23] =	ssyncadd.s32 $0xFFFFC000  }
0xd4: {  	_ =	swait.ge [sflag:s24], $0x800  }
0xd5: {  	s28 =	sadd.s32 $0x2000, s28;
	[sflag:s24] =	ssyncset.done $0x0  }
0xd6: {  	p0 =	sne.s32 s28, $0x20000;
	[sflag:s24] =	ssyncadd.s32 $0xFFFFF800  }
0xd7: {  	[spmem:s9] =	stream.linear.scatter [tilespmem:s17], [sflag:$0x7], $0x4000, $0x38;
	[tilespmem:$0x18400] =	vst v63  }
.Ltmp0:
0xd8: {  	_ = 	snop;
	(pc) =	sbr.rel @p0 .LBB2_2-.Ltmp0, $4  }
0xd9: {  	_ =	swait.ge [sflag:s11], $0x4000  }
0xda: {  	[sflag:s11] =	ssyncset.done $0x0  }
0xdb: {  	s26 =	sadd.s32 $0x40, s26;
	s31 =	sadd.s32 $0x1800, s30;
	[sflag:s11] =	ssyncadd.s32 $0xFFFFC000  }
0xdc: {  	[hbm:s31], [sflag:s14] =	dma.local [spmem:s15], $0x800  }
0xdd: {  	s25 =	sadd.s32 $0x1, s25  }
0xde: {  	_ =	swait.ge [sflag:s22], $0x800;
	p0 =	sne.s32 s25, s10  }
.Ltmp1:
0xdf: {  	[sflag:s22] =	ssyncset.done $0x0;
	(pc) =	sbr.rel @p0 .LBB2_1-.Ltmp1, $4  }
0xe0: {  	[sflag:s22] =	ssyncadd.s32 $0xFFFFF800  }
0xe1: {  	_ =	swait.ge [sflag:s24], $0x800  }
0xe2: {  	[sflag:s24] =	ssyncset.done $0x0  }
0xe3: {  	[sflag:s24] =	ssyncadd.s32 $0xFFFFF800  }
0xe4: {  	_ =	sfence.sel $0x180000  }
0xe5: {  	[bflag:$0x0] =	sbarrier.arrive $0xFFFF  }
0xe6: {  	_ =	strace $0x90000047  }
0xe7: {  	[bflag:$0x2] =	sbarrier.arrive $0xFFFF  }
0xe8: {  	p0 =	sne.s32 s1, $0x0;
	s0 =	rddreg [dreg:$0x4]  }
0xe9: {  	s0 =	sadd.s32 @!p0 $0x100000, s0  }
0xea: {  	[sflag:s0] =	ssyncadd.tile.s32 @!p0 $0x1;
	_ =	shalt  }
.Lfunc_end2:
_tile_overlayer_lowered:
.L_overlay_start_2:
0xeb: {  	(tag) =	ssettag $0x2  }
0xec: {  	s0 =	rddreg [dreg:$0x0];
	s2 =	stileid.u32  }
0xed: {  	s1 =	rddreg [dreg:$0x1];
	p0 =	sne.s32 s2, $0x0  }
0xee: {  	s3 =	rddreg [dreg:$0x2];
	[bflag:$0x3] =	sbarrier.arrive $0xFFFF;
	s2 =	simm.s32 @!p0 $0x1C07  }
0xef: {  	[timem:s3], [sflag:s2] =	dma.local @!p0 [hbm:s0], s1  }
0xf0: {  	s0 =	simm.s32 @!p0 $0x7  }
0xf1: {  	_ =	swait.ge @!p0 [sflag:s0], s1  }
0xf2: {  	s1 =	ssub.s32 @!p0 $0x0, s1;
	[sflag:s0] =	ssyncset.done @!p0 $0x0  }
0xf3: {  	[sflag:s0] =	ssyncadd.s32 @!p0 s1  }
0xf4: {  	[bflag:$0x3] =	sbarrier.arrive $0xFFFF  }
0xf5: {  	_ =	shalt  }

</sc_bundles>
